<compile_context>
chip_gen: v7x
topology: tpu7x:2x2x1
jax: 0.10.2.dev20260603
libtpu: 0.0.44.dev20260713+nightly
codegen_flags: <defaults>
</compile_context>

<pallas_src>
import functools

import jax
import jax.numpy as jnp
from jax import lax
from jax.experimental import pallas as pl
from jax.experimental.pallas import tpu as pltpu
from jax.experimental.pallas import tpu_sc as plsc

B_, P_, A_, D_ = 512, 256, 196, 128
NM, NU = 192, 64
BS = 16
NMT = B_ * NM
NUT = B_ * NU
NC, NS = 2, 16
NW = NC * NS
CH = 256
ME_PW = NMT // NW
UP_PW = NUT // NW


@functools.cache
def _make_sc_gather():
    mesh = plsc.VectorSubcoreMesh(core_axis_name="c", subcore_axis_name="s")

    @functools.partial(
        pl.kernel,
        mesh=mesh,
        out_type=(
            jax.ShapeDtypeStruct((NMT, D_), jnp.float32),
            jax.ShapeDtypeStruct((NUT, D_), jnp.float32),
        ),
        scratch_types=[
            pltpu.VMEM((CH,), jnp.int32),
            pltpu.VMEM((CH,), jnp.int32),
            pltpu.VMEM((CH, D_), jnp.float32),
            pltpu.VMEM((CH, D_), jnp.float32),
            pltpu.SemaphoreType.DMA,
            pltpu.SemaphoreType.DMA,
            pltpu.SemaphoreType.DMA,
        ],
    )
    def _sc_gather(pp_hbm, pos_hbm, mflat_hbm, uflat_hbm,
                   me_hbm, up_hbm, idx0, idx1, buf0, buf1,
                   semg, semo0, semo1):
        wid = lax.axis_index("s") * NC + lax.axis_index("c")
        idxs = (idx0, idx1)
        bufs = (buf0, buf1)
        semo = (semo0, semo1)
        sched = []
        for c in range(ME_PW // CH):
            sched.append((mflat_hbm, pp_hbm, me_hbm, wid * ME_PW + c * CH))
        for c in range(UP_PW // CH):
            sched.append((uflat_hbm, pos_hbm, up_hbm, wid * UP_PW + c * CH))
        outcp = [None, None]
        for c, (iflat, tbl, out, base) in enumerate(sched):
            bsl = c % 2
            if outcp[bsl] is not None:
                outcp[bsl].wait()
            pltpu.sync_copy(iflat.at[pl.ds(base, CH)], idxs[bsl])
            pltpu.async_copy(tbl.at[idxs[bsl]], bufs[bsl], semg).wait()
            cp = pltpu.make_async_copy(bufs[bsl], out.at[pl.ds(base, CH)],
                                       semo[bsl])
            cp.start()
            outcp[bsl] = cp
        for cp in outcp:
            cp.wait()

    return _sc_gather


def _mvec_body(mtok_ref, W_ref, b_ref, pos_ref, pp_ref):
    mv = jnp.dot(mtok_ref[...], W_ref[...],
                 preferred_element_type=jnp.float32) + b_ref[...]
    pp_ref[...] = pos_ref[...] + mv


def _enc_body(idx_ref, patches_ref, W_ref, b_ref, pos_ref, ue_ref):
    Wb = W_ref[...].astype(jnp.bfloat16)
    bvec = b_ref[...]
    pos = pos_ref[...].astype(jnp.bfloat16)
    for s in range(BS):
        idxs = idx_ref[s, NM:]
        idx_col = jnp.reshape(idxs, (NU, 1))
        du = (idx_col == lax.broadcasted_iota(jnp.int32, (NU, P_), 1)
              ).astype(jnp.bfloat16)
        upos = jnp.dot(du, pos, preferred_element_type=jnp.float32)
        gp = jnp.dot(du, patches_ref[s].astype(jnp.bfloat16),
                     preferred_element_type=jnp.float32).astype(jnp.bfloat16)
        ue_ref[s] = jnp.dot(gp, Wb, preferred_element_type=jnp.float32
                            ) + bvec + upos


def kernel(patches, W, b, pos_table, mask_token, rand_uniform):
    idx_sorted = jnp.argsort(rand_uniform, axis=-1).astype(jnp.int32)
    mask_indices = idx_sorted[:, :NM]
    unmask_indices = idx_sorted[:, NM:]
    b2 = b.reshape(1, D_)

    pos_plus = pl.pallas_call(
        _mvec_body,
        out_shape=jax.ShapeDtypeStruct((P_, D_), jnp.float32),
    )(mask_token, W, b2, pos_table)

    me_flat, up_flat = _make_sc_gather()(
        pos_plus, pos_table, mask_indices.reshape(NMT),
        unmask_indices.reshape(NUT))

    ue = pl.pallas_call(
        _enc_body,
        grid=(B_ // BS,),
        in_specs=[
            pl.BlockSpec((BS, P_), lambda i: (i, 0)),
            pl.BlockSpec((BS, P_, A_), lambda i: (i, 0, 0)),
            pl.BlockSpec((A_, D_), lambda i: (0, 0)),
            pl.BlockSpec((1, D_), lambda i: (0, 0)),
            pl.BlockSpec((P_, D_), lambda i: (0, 0)),
        ],
        out_specs=pl.BlockSpec((BS, NU, D_), lambda i: (i, 0, 0)),
        out_shape=jax.ShapeDtypeStruct((B_, NU, D_), jnp.float32),
        compiler_params=pltpu.CompilerParams(
            dimension_semantics=("parallel",),
        ),
    )(idx_sorted, patches, W, b2, pos_table)

    return (ue, me_flat.reshape(B_, NM, D_), up_flat.reshape(B_, NU, D_),
            mask_indices, unmask_indices)

# --- scband reference (transcript-rebuilt; emitter-appended) ---
"""Pipeline reference for scband-patch-encoder-24051816858293 (READ-ONLY COPY).

The authoritative reference and input builder live on the scoring server;
editing this copy changes nothing except your own understanding.
"""

import jax, jax.numpy as jnp
import numpy as np

B = 512
P = 256      # num_patches
A = 196      # patch_area = patch_size*patch_size*1
D = 128      # projection_dim
NUM_MASK = int(0.75 * P)  # 192


def setup_inputs(seed: int = 0) -> dict:
    key = jax.random.key(seed)
    k1, k2, k3, k4, k5 = jax.random.split(key, 5)
    patches = jax.random.normal(k1, (B, P, A), dtype=jnp.float32)
    # learned params
    W = jax.random.normal(k2, (A, D), dtype=jnp.float32) * 0.05   # Dense projection kernel
    b = jnp.zeros((D,), dtype=jnp.float32)                         # Dense projection bias
    pos_table = jax.random.normal(k3, (P, D), dtype=jnp.float32) * 0.02  # position Embedding table
    mask_token = jax.random.normal(k4, (1, A), dtype=jnp.float32)  # learned mask token
    # deterministic stand-in for tf.random.uniform used to draw mask/unmask indices
    rand_uniform = jax.random.uniform(k5, (B, P), dtype=jnp.float32)
    return {"patches": patches, "W": W, "b": b, "pos_table": pos_table,
            "mask_token": mask_token, "rand_uniform": rand_uniform}


def reference(patches, W, b, pos_table, mask_token, rand_uniform):
    batch_size = patches.shape[0]
    # positions = range(num_patches); embedding lookup then tile over batch
    pos_embeddings = jnp.take(pos_table, jnp.arange(P), axis=0)[None, ...]   # [1, P, D]
    pos_embeddings = jnp.tile(pos_embeddings, (batch_size, 1, 1))            # [B, P, D]
    patch_embeddings = jnp.einsum('bpa,ad->bpd', patches, W) + b + pos_embeddings
    # get_random_indices: argsort of uniform noise
    rand_indices = jnp.argsort(rand_uniform, axis=-1)
    mask_indices = rand_indices[:, :NUM_MASK]
    unmask_indices = rand_indices[:, NUM_MASK:]
    # batched gathers (tf.gather with batch_dims=1)
    unmasked_embeddings = jnp.take_along_axis(patch_embeddings, unmask_indices[..., None], axis=1)
    unmasked_positions = jnp.take_along_axis(pos_embeddings, unmask_indices[..., None], axis=1)
    masked_positions = jnp.take_along_axis(pos_embeddings, mask_indices[..., None], axis=1)
    mask_tokens = jnp.repeat(mask_token, NUM_MASK, axis=0)                   # [NUM_MASK, A]
    mask_tokens = jnp.repeat(mask_tokens[None, ...], batch_size, axis=0)     # [B, NUM_MASK, A]
    masked_embeddings = jnp.einsum('bma,ad->bmd', mask_tokens, W) + b + masked_positions
    return (unmasked_embeddings, masked_embeddings, unmasked_positions,
            mask_indices, unmask_indices)

if __name__ == "__main__":
    import jax
    _d = setup_inputs()
    print(jax.jit(kernel)(*tuple(_d.values())))

</pallas_src>

<mosaic_0001>
#map = affine_map<(d0, d1) -> (0, 0)>
#map1 = affine_map<(d0, d1) -> (0)>
module attributes {stable_mosaic.version = 14 : i64} {
  func.func @_sc_gather(%arg0: i32, %arg1: i32, %arg2: memref<256x128xf32, #tpu.memory_space<hbm>>, %arg3: memref<256x128xf32, #tpu.memory_space<hbm>>, %arg4: memref<98304xi32, #tpu.memory_space<hbm>>, %arg5: memref<32768xi32, #tpu.memory_space<hbm>>, %arg6: memref<98304x128xf32, #tpu.memory_space<hbm>>, %arg7: memref<32768x128xf32, #tpu.memory_space<hbm>>, %arg8: memref<256xi32, #tpu.memory_space<vmem>>, %arg9: memref<256xi32, #tpu.memory_space<vmem>>, %arg10: memref<256x128xf32, #tpu.memory_space<vmem>>, %arg11: memref<256x128xf32, #tpu.memory_space<vmem>>, %arg12: memref<!tpu.dma_semaphore, #tpu.memory_space<semaphore_mem>>, %arg13: memref<!tpu.dma_semaphore, #tpu.memory_space<semaphore_mem>>, %arg14: memref<!tpu.dma_semaphore, #tpu.memory_space<semaphore_mem>>) attributes {dimension_semantics = [#tpu.dimension_semantics<core_parallel>, #tpu.dimension_semantics<subcore_parallel>], iteration_bounds = array<i64: 2, 16>, scalar_prefetch = 0 : i64, scratch_operands = 7 : i64, tpu.core_type = #tpu.core_type<sc_vector_subcore>, window_params = [{transform_indices = #map}, {transform_indices = #map}, {transform_indices = #map1}, {transform_indices = #map1}, {transform_indices = #map}, {transform_indices = #map}]} {
    %mul3A = arith.constant 2 : i32
    %mul3A_0 = arith.muli %arg1, %mul3A : i32
    %add3A = arith.addi %mul3A_0, %arg0 : i32
    %mul3A_1 = arith.constant 3072 : i32
    %mul3A_2 = arith.muli %add3A, %mul3A_1 : i32
    %add3A_3 = arith.constant 0 : i32
    %add3A_4 = arith.addi %mul3A_2, %add3A_3 : i32
    %mul3A_5 = arith.constant 3072 : i32
    %mul3A_6 = arith.muli %add3A, %mul3A_5 : i32
    %add3A_7 = arith.constant 256 : i32
    %add3A_8 = arith.addi %mul3A_6, %add3A_7 : i32
    %mul3A_9 = arith.constant 3072 : i32
    %mul3A_10 = arith.muli %add3A, %mul3A_9 : i32
    %add3A_11 = arith.constant 512 : i32
    %add3A_12 = arith.addi %mul3A_10, %add3A_11 : i32
    %mul3A_13 = arith.constant 3072 : i32
    %mul3A_14 = arith.muli %add3A, %mul3A_13 : i32
    %add3A_15 = arith.constant 768 : i32
    %add3A_16 = arith.addi %mul3A_14, %add3A_15 : i32
    %mul3A_17 = arith.constant 3072 : i32
    %mul3A_18 = arith.muli %add3A, %mul3A_17 : i32
    %add3A_19 = arith.constant 1024 : i32
    %add3A_20 = arith.addi %mul3A_18, %add3A_19 : i32
    %mul3A_21 = arith.constant 3072 : i32
    %mul3A_22 = arith.muli %add3A, %mul3A_21 : i32
    %add3A_23 = arith.constant 1280 : i32
    %add3A_24 = arith.addi %mul3A_22, %add3A_23 : i32
    %mul3A_25 = arith.constant 3072 : i32
    %mul3A_26 = arith.muli %add3A, %mul3A_25 : i32
    %add3A_27 = arith.constant 1536 : i32
    %add3A_28 = arith.addi %mul3A_26, %add3A_27 : i32
    %mul3A_29 = arith.constant 3072 : i32
    %mul3A_30 = arith.muli %add3A, %mul3A_29 : i32
    %add3A_31 = arith.constant 1792 : i32
    %add3A_32 = arith.addi %mul3A_30, %add3A_31 : i32
    %mul3A_33 = arith.constant 3072 : i32
    %mul3A_34 = arith.muli %add3A, %mul3A_33 : i32
    %add3A_35 = arith.constant 2048 : i32
    %add3A_36 = arith.addi %mul3A_34, %add3A_35 : i32
    %mul3A_37 = arith.constant 3072 : i32
    %mul3A_38 = arith.muli %add3A, %mul3A_37 : i32
    %add3A_39 = arith.constant 2304 : i32
    %add3A_40 = arith.addi %mul3A_38, %add3A_39 : i32
    %mul3A_41 = arith.constant 3072 : i32
    %mul3A_42 = arith.muli %add3A, %mul3A_41 : i32
    %add3A_43 = arith.constant 2560 : i32
    %add3A_44 = arith.addi %mul3A_42, %add3A_43 : i32
    %mul3A_45 = arith.constant 3072 : i32
    %mul3A_46 = arith.muli %add3A, %mul3A_45 : i32
    %add3A_47 = arith.constant 2816 : i32
    %add3A_48 = arith.addi %mul3A_46, %add3A_47 : i32
    %mul3A_49 = arith.constant 1024 : i32
    %mul3A_50 = arith.muli %add3A, %mul3A_49 : i32
    %add3A_51 = arith.constant 0 : i32
    %add3A_52 = arith.addi %mul3A_50, %add3A_51 : i32
    %mul3A_53 = arith.constant 1024 : i32
    %mul3A_54 = arith.muli %add3A, %mul3A_53 : i32
    %add3A_55 = arith.constant 256 : i32
    %add3A_56 = arith.addi %mul3A_54, %add3A_55 : i32
    %mul3A_57 = arith.constant 1024 : i32
    %mul3A_58 = arith.muli %add3A, %mul3A_57 : i32
    %add3A_59 = arith.constant 512 : i32
    %add3A_60 = arith.addi %mul3A_58, %add3A_59 : i32
    %mul3A_61 = arith.constant 1024 : i32
    %mul3A_62 = arith.muli %add3A, %mul3A_61 : i32
    %add3A_63 = arith.constant 768 : i32
    %add3A_64 = arith.addi %mul3A_62, %add3A_63 : i32
    "tpu.region"() ({
      %run_scoped3A = tpu.sem_alloc : memref<!tpu.dma_semaphore, #tpu.memory_space<semaphore_mem>>
      %dma_start3A_287 = tpu.memref_slice %arg4[%add3A_4] : memref<98304xi32, #tpu.memory_space<hbm>> -> memref<256xi32, #tpu.memory_space<hbm>>
      %dma_start3A_288 = tpu.memref_slice %arg4[%add3A_4] : memref<98304xi32, #tpu.memory_space<hbm>> -> memref<256xi32, #tpu.memory_space<hbm>>
      tpu.enqueue_dma source(%dma_start3A_288 : memref<256xi32, #tpu.memory_space<hbm>>) target(%arg8 : memref<256xi32, #tpu.memory_space<vmem>>) target_semaphore(%run_scoped3A : memref<!tpu.dma_semaphore, #tpu.memory_space<semaphore_mem>>)
      %dma_wait3A_289 = tpu.memref_slice %arg4[%add3A_4] : memref<98304xi32, #tpu.memory_space<hbm>> -> memref<256xi32, #tpu.memory_space<hbm>>
      %dma_wait3A_290 = tpu.memref_slice %arg4[%add3A_4] : memref<98304xi32, #tpu.memory_space<hbm>> -> memref<256xi32, #tpu.memory_space<hbm>>
      tpu.wait_dma2 semaphore(%run_scoped3A : memref<!tpu.dma_semaphore, #tpu.memory_space<semaphore_mem>>) src(%dma_wait3A_290 : memref<256xi32, #tpu.memory_space<hbm>>) dst(%arg8 : memref<256xi32, #tpu.memory_space<vmem>>)
      tpu.yield
    }) : () -> ()
    %dma_start3A = arith.constant 0 : i32
    %dma_start3A_65 = arith.constant 0 : i32
    %dma_start3A_66 = tpu.memref_slice %arg2[%dma_start3A, %dma_start3A_65] : memref<256x128xf32, #tpu.memory_space<hbm>> -> memref<256x128xf32, #tpu.memory_space<hbm>>
    tpu.enqueue_indirect_dma source(%dma_start3A_66 : memref<256x128xf32, #tpu.memory_space<hbm>>) target(%arg10 : memref<256x128xf32, #tpu.memory_space<vmem>>) offsets(%arg8 : memref<256xi32, #tpu.memory_space<vmem>>) semaphore(%arg12 : memref<!tpu.dma_semaphore, #tpu.memory_space<semaphore_mem>>)
    %dma_wait3A = arith.constant 0 : i32
    %dma_wait3A_67 = arith.constant 0 : i32
    %dma_wait3A_68 = tpu.memref_slice %arg2[%dma_wait3A, %dma_wait3A_67] : memref<256x128xf32, #tpu.memory_space<hbm>> -> memref<256x128xf32, #tpu.memory_space<hbm>>
    tpu.wait_indirect_dma semaphore(%arg12 : memref<!tpu.dma_semaphore, #tpu.memory_space<semaphore_mem>>) src(%dma_wait3A_68 : memref<256x128xf32, #tpu.memory_space<hbm>>) dst(%arg10 : memref<256x128xf32, #tpu.memory_space<vmem>>)
    %dma_start3A_69 = arith.constant 0 : i32
    %dma_start3A_70 = tpu.memref_slice %arg6[%add3A_4, %dma_start3A_69] : memref<98304x128xf32, #tpu.memory_space<hbm>> -> memref<256x128xf32, #tpu.memory_space<hbm>>
    %dma_start3A_71 = arith.constant 0 : i32
    %dma_start3A_72 = tpu.memref_slice %arg6[%add3A_4, %dma_start3A_71] : memref<98304x128xf32, #tpu.memory_space<hbm>> -> memref<256x128xf32, #tpu.memory_space<hbm>>
    tpu.enqueue_dma source(%arg10 : memref<256x128xf32, #tpu.memory_space<vmem>>) target(%dma_start3A_72 : memref<256x128xf32, #tpu.memory_space<hbm>>) target_semaphore(%arg13 : memref<!tpu.dma_semaphore, #tpu.memory_space<semaphore_mem>>)
    "tpu.region"() ({
      %run_scoped3A = tpu.sem_alloc : memref<!tpu.dma_semaphore, #tpu.memory_space<semaphore_mem>>
      %dma_start3A_287 = tpu.memref_slice %arg4[%add3A_8] : memref<98304xi32, #tpu.memory_space<hbm>> -> memref<256xi32, #tpu.memory_space<hbm>>
      %dma_start3A_288 = tpu.memref_slice %arg4[%add3A_8] : memref<98304xi32, #tpu.memory_space<hbm>> -> memref<256xi32, #tpu.memory_space<hbm>>
      tpu.enqueue_dma source(%dma_start3A_288 : memref<256xi32, #tpu.memory_space<hbm>>) target(%arg9 : memref<256xi32, #tpu.memory_space<vmem>>) target_semaphore(%run_scoped3A : memref<!tpu.dma_semaphore, #tpu.memory_space<semaphore_mem>>)
      %dma_wait3A_289 = tpu.memref_slice %arg4[%add3A_8] : memref<98304xi32, #tpu.memory_space<hbm>> -> memref<256xi32, #tpu.memory_space<hbm>>
      %dma_wait3A_290 = tpu.memref_slice %arg4[%add3A_8] : memref<98304xi32, #tpu.memory_space<hbm>> -> memref<256xi32, #tpu.memory_space<hbm>>
      tpu.wait_dma2 semaphore(%run_scoped3A : memref<!tpu.dma_semaphore, #tpu.memory_space<semaphore_mem>>) src(%dma_wait3A_290 : memref<256xi32, #tpu.memory_space<hbm>>) dst(%arg9 : memref<256xi32, #tpu.memory_space<vmem>>)
      tpu.yield
    }) : () -> ()
    %dma_start3A_73 = arith.constant 0 : i32
    %dma_start3A_74 = arith.constant 0 : i32
    %dma_start3A_75 = tpu.memref_slice %arg2[%dma_start3A_73, %dma_start3A_74] : memref<256x128xf32, #tpu.memory_space<hbm>> -> memref<256x128xf32, #tpu.memory_space<hbm>>
    tpu.enqueue_indirect_dma source(%dma_start3A_75 : memref<256x128xf32, #tpu.memory_space<hbm>>) target(%arg11 : memref<256x128xf32, #tpu.memory_space<vmem>>) offsets(%arg9 : memref<256xi32, #tpu.memory_space<vmem>>) semaphore(%arg12 : memref<!tpu.dma_semaphore, #tpu.memory_space<semaphore_mem>>)
    %dma_wait3A_76 = arith.constant 0 : i32
    %dma_wait3A_77 = arith.constant 0 : i32
    %dma_wait3A_78 = tpu.memref_slice %arg2[%dma_wait3A_76, %dma_wait3A_77] : memref<256x128xf32, #tpu.memory_space<hbm>> -> memref<256x128xf32, #tpu.memory_space<hbm>>
    tpu.wait_indirect_dma semaphore(%arg12 : memref<!tpu.dma_semaphore, #tpu.memory_space<semaphore_mem>>) src(%dma_wait3A_78 : memref<256x128xf32, #tpu.memory_space<hbm>>) dst(%arg11 : memref<256x128xf32, #tpu.memory_space<vmem>>)
    %dma_start3A_79 = arith.constant 0 : i32
    %dma_start3A_80 = tpu.memref_slice %arg6[%add3A_8, %dma_start3A_79] : memref<98304x128xf32, #tpu.memory_space<hbm>> -> memref<256x128xf32, #tpu.memory_space<hbm>>
    %dma_start3A_81 = arith.constant 0 : i32
    %dma_start3A_82 = tpu.memref_slice %arg6[%add3A_8, %dma_start3A_81] : memref<98304x128xf32, #tpu.memory_space<hbm>> -> memref<256x128xf32, #tpu.memory_space<hbm>>
    tpu.enqueue_dma source(%arg11 : memref<256x128xf32, #tpu.memory_space<vmem>>) target(%dma_start3A_82 : memref<256x128xf32, #tpu.memory_space<hbm>>) target_semaphore(%arg14 : memref<!tpu.dma_semaphore, #tpu.memory_space<semaphore_mem>>)
    %dma_wait3A_83 = arith.constant 0 : i32
    %dma_wait3A_84 = tpu.memref_slice %arg6[%add3A_4, %dma_wait3A_83] : memref<98304x128xf32, #tpu.memory_space<hbm>> -> memref<256x128xf32, #tpu.memory_space<hbm>>
    %dma_wait3A_85 = arith.constant 0 : i32
    %dma_wait3A_86 = tpu.memref_slice %arg6[%add3A_4, %dma_wait3A_85] : memref<98304x128xf32, #tpu.memory_space<hbm>> -> memref<256x128xf32, #tpu.memory_space<hbm>>
    tpu.wait_dma2 semaphore(%arg13 : memref<!tpu.dma_semaphore, #tpu.memory_space<semaphore_mem>>) src(%arg10 : memref<256x128xf32, #tpu.memory_space<vmem>>) dst(%dma_wait3A_86 : memref<256x128xf32, #tpu.memory_space<hbm>>)
    "tpu.region"() ({
      %run_scoped3A = tpu.sem_alloc : memref<!tpu.dma_semaphore, #tpu.memory_space<semaphore_mem>>
      %dma_start3A_287 = tpu.memref_slice %arg4[%add3A_12] : memref<98304xi32, #tpu.memory_space<hbm>> -> memref<256xi32, #tpu.memory_space<hbm>>
      %dma_start3A_288 = tpu.memref_slice %arg4[%add3A_12] : memref<98304xi32, #tpu.memory_space<hbm>> -> memref<256xi32, #tpu.memory_space<hbm>>
      tpu.enqueue_dma source(%dma_start3A_288 : memref<256xi32, #tpu.memory_space<hbm>>) target(%arg8 : memref<256xi32, #tpu.memory_space<vmem>>) target_semaphore(%run_scoped3A : memref<!tpu.dma_semaphore, #tpu.memory_space<semaphore_mem>>)
      %dma_wait3A_289 = tpu.memref_slice %arg4[%add3A_12] : memref<98304xi32, #tpu.memory_space<hbm>> -> memref<256xi32, #tpu.memory_space<hbm>>
      %dma_wait3A_290 = tpu.memref_slice %arg4[%add3A_12] : memref<98304xi32, #tpu.memory_space<hbm>> -> memref<256xi32, #tpu.memory_space<hbm>>
      tpu.wait_dma2 semaphore(%run_scoped3A : memref<!tpu.dma_semaphore, #tpu.memory_space<semaphore_mem>>) src(%dma_wait3A_290 : memref<256xi32, #tpu.memory_space<hbm>>) dst(%arg8 : memref<256xi32, #tpu.memory_space<vmem>>)
      tpu.yield
    }) : () -> ()
    %dma_start3A_87 = arith.constant 0 : i32
    %dma_start3A_88 = arith.constant 0 : i32
    %dma_start3A_89 = tpu.memref_slice %arg2[%dma_start3A_87, %dma_start3A_88] : memref<256x128xf32, #tpu.memory_space<hbm>> -> memref<256x128xf32, #tpu.memory_space<hbm>>
    tpu.enqueue_indirect_dma source(%dma_start3A_89 : memref<256x128xf32, #tpu.memory_space<hbm>>) target(%arg10 : memref<256x128xf32, #tpu.memory_space<vmem>>) offsets(%arg8 : memref<256xi32, #tpu.memory_space<vmem>>) semaphore(%arg12 : memref<!tpu.dma_semaphore, #tpu.memory_space<semaphore_mem>>)
    %dma_wait3A_90 = arith.constant 0 : i32
    %dma_wait3A_91 = arith.constant 0 : i32
    %dma_wait3A_92 = tpu.memref_slice %arg2[%dma_wait3A_90, %dma_wait3A_91] : memref<256x128xf32, #tpu.memory_space<hbm>> -> memref<256x128xf32, #tpu.memory_space<hbm>>
    tpu.wait_indirect_dma semaphore(%arg12 : memref<!tpu.dma_semaphore, #tpu.memory_space<semaphore_mem>>) src(%dma_wait3A_92 : memref<256x128xf32, #tpu.memory_space<hbm>>) dst(%arg10 : memref<256x128xf32, #tpu.memory_space<vmem>>)
    %dma_start3A_93 = arith.constant 0 : i32
    %dma_start3A_94 = tpu.memref_slice %arg6[%add3A_12, %dma_start3A_93] : memref<98304x128xf32, #tpu.memory_space<hbm>> -> memref<256x128xf32, #tpu.memory_space<hbm>>
    %dma_start3A_95 = arith.constant 0 : i32
    %dma_start3A_96 = tpu.memref_slice %arg6[%add3A_12, %dma_start3A_95] : memref<98304x128xf32, #tpu.memory_space<hbm>> -> memref<256x128xf32, #tpu.memory_space<hbm>>
    tpu.enqueue_dma source(%arg10 : memref<256x128xf32, #tpu.memory_space<vmem>>) target(%dma_start3A_96 : memref<256x128xf32, #tpu.memory_space<hbm>>) target_semaphore(%arg13 : memref<!tpu.dma_semaphore, #tpu.memory_space<semaphore_mem>>)
    %dma_wait3A_97 = arith.constant 0 : i32
    %dma_wait3A_98 = tpu.memref_slice %arg6[%add3A_8, %dma_wait3A_97] : memref<98304x128xf32, #tpu.memory_space<hbm>> -> memref<256x128xf32, #tpu.memory_space<hbm>>
    %dma_wait3A_99 = arith.constant 0 : i32
    %dma_wait3A_100 = tpu.memref_slice %arg6[%add3A_8, %dma_wait3A_99] : memref<98304x128xf32, #tpu.memory_space<hbm>> -> memref<256x128xf32, #tpu.memory_space<hbm>>
    tpu.wait_dma2 semaphore(%arg14 : memref<!tpu.dma_semaphore, #tpu.memory_space<semaphore_mem>>) src(%arg11 : memref<256x128xf32, #tpu.memory_space<vmem>>) dst(%dma_wait3A_100 : memref<256x128xf32, #tpu.memory_space<hbm>>)
    "tpu.region"() ({
      %run_scoped3A = tpu.sem_alloc : memref<!tpu.dma_semaphore, #tpu.memory_space<semaphore_mem>>
      %dma_start3A_287 = tpu.memref_slice %arg4[%add3A_16] : memref<98304xi32, #tpu.memory_space<hbm>> -> memref<256xi32, #tpu.memory_space<hbm>>
      %dma_start3A_288 = tpu.memref_slice %arg4[%add3A_16] : memref<98304xi32, #tpu.memory_space<hbm>> -> memref<256xi32, #tpu.memory_space<hbm>>
      tpu.enqueue_dma source(%dma_start3A_288 : memref<256xi32, #tpu.memory_space<hbm>>) target(%arg9 : memref<256xi32, #tpu.memory_space<vmem>>) target_semaphore(%run_scoped3A : memref<!tpu.dma_semaphore, #tpu.memory_space<semaphore_mem>>)
      %dma_wait3A_289 = tpu.memref_slice %arg4[%add3A_16] : memref<98304xi32, #tpu.memory_space<hbm>> -> memref<256xi32, #tpu.memory_space<hbm>>
      %dma_wait3A_290 = tpu.memref_slice %arg4[%add3A_16] : memref<98304xi32, #tpu.memory_space<hbm>> -> memref<256xi32, #tpu.memory_space<hbm>>
      tpu.wait_dma2 semaphore(%run_scoped3A : memref<!tpu.dma_semaphore, #tpu.memory_space<semaphore_mem>>) src(%dma_wait3A_290 : memref<256xi32, #tpu.memory_space<hbm>>) dst(%arg9 : memref<256xi32, #tpu.memory_space<vmem>>)
      tpu.yield
    }) : () -> ()
    %dma_start3A_101 = arith.constant 0 : i32
    %dma_start3A_102 = arith.constant 0 : i32
    %dma_start3A_103 = tpu.memref_slice %arg2[%dma_start3A_101, %dma_start3A_102] : memref<256x128xf32, #tpu.memory_space<hbm>> -> memref<256x128xf32, #tpu.memory_space<hbm>>
    tpu.enqueue_indirect_dma source(%dma_start3A_103 : memref<256x128xf32, #tpu.memory_space<hbm>>) target(%arg11 : memref<256x128xf32, #tpu.memory_space<vmem>>) offsets(%arg9 : memref<256xi32, #tpu.memory_space<vmem>>) semaphore(%arg12 : memref<!tpu.dma_semaphore, #tpu.memory_space<semaphore_mem>>)
    %dma_wait3A_104 = arith.constant 0 : i32
    %dma_wait3A_105 = arith.constant 0 : i32
    %dma_wait3A_106 = tpu.memref_slice %arg2[%dma_wait3A_104, %dma_wait3A_105] : memref<256x128xf32, #tpu.memory_space<hbm>> -> memref<256x128xf32, #tpu.memory_space<hbm>>
    tpu.wait_indirect_dma semaphore(%arg12 : memref<!tpu.dma_semaphore, #tpu.memory_space<semaphore_mem>>) src(%dma_wait3A_106 : memref<256x128xf32, #tpu.memory_space<hbm>>) dst(%arg11 : memref<256x128xf32, #tpu.memory_space<vmem>>)
    %dma_start3A_107 = arith.constant 0 : i32
    %dma_start3A_108 = tpu.memref_slice %arg6[%add3A_16, %dma_start3A_107] : memref<98304x128xf32, #tpu.memory_space<hbm>> -> memref<256x128xf32, #tpu.memory_space<hbm>>
    %dma_start3A_109 = arith.constant 0 : i32
    %dma_start3A_110 = tpu.memref_slice %arg6[%add3A_16, %dma_start3A_109] : memref<98304x128xf32, #tpu.memory_space<hbm>> -> memref<256x128xf32, #tpu.memory_space<hbm>>
    tpu.enqueue_dma source(%arg11 : memref<256x128xf32, #tpu.memory_space<vmem>>) target(%dma_start3A_110 : memref<256x128xf32, #tpu.memory_space<hbm>>) target_semaphore(%arg14 : memref<!tpu.dma_semaphore, #tpu.memory_space<semaphore_mem>>)
    %dma_wait3A_111 = arith.constant 0 : i32
    %dma_wait3A_112 = tpu.memref_slice %arg6[%add3A_12, %dma_wait3A_111] : memref<98304x128xf32, #tpu.memory_space<hbm>> -> memref<256x128xf32, #tpu.memory_space<hbm>>
    %dma_wait3A_113 = arith.constant 0 : i32
    %dma_wait3A_114 = tpu.memref_slice %arg6[%add3A_12, %dma_wait3A_113] : memref<98304x128xf32, #tpu.memory_space<hbm>> -> memref<256x128xf32, #tpu.memory_space<hbm>>
    tpu.wait_dma2 semaphore(%arg13 : memref<!tpu.dma_semaphore, #tpu.memory_space<semaphore_mem>>) src(%arg10 : memref<256x128xf32, #tpu.memory_space<vmem>>) dst(%dma_wait3A_114 : memref<256x128xf32, #tpu.memory_space<hbm>>)
    "tpu.region"() ({
      %run_scoped3A = tpu.sem_alloc : memref<!tpu.dma_semaphore, #tpu.memory_space<semaphore_mem>>
      %dma_start3A_287 = tpu.memref_slice %arg4[%add3A_20] : memref<98304xi32, #tpu.memory_space<hbm>> -> memref<256xi32, #tpu.memory_space<hbm>>
      %dma_start3A_288 = tpu.memref_slice %arg4[%add3A_20] : memref<98304xi32, #tpu.memory_space<hbm>> -> memref<256xi32, #tpu.memory_space<hbm>>
      tpu.enqueue_dma source(%dma_start3A_288 : memref<256xi32, #tpu.memory_space<hbm>>) target(%arg8 : memref<256xi32, #tpu.memory_space<vmem>>) target_semaphore(%run_scoped3A : memref<!tpu.dma_semaphore, #tpu.memory_space<semaphore_mem>>)
      %dma_wait3A_289 = tpu.memref_slice %arg4[%add3A_20] : memref<98304xi32, #tpu.memory_space<hbm>> -> memref<256xi32, #tpu.memory_space<hbm>>
      %dma_wait3A_290 = tpu.memref_slice %arg4[%add3A_20] : memref<98304xi32, #tpu.memory_space<hbm>> -> memref<256xi32, #tpu.memory_space<hbm>>
      tpu.wait_dma2 semaphore(%run_scoped3A : memref<!tpu.dma_semaphore, #tpu.memory_space<semaphore_mem>>) src(%dma_wait3A_290 : memref<256xi32, #tpu.memory_space<hbm>>) dst(%arg8 : memref<256xi32, #tpu.memory_space<vmem>>)
      tpu.yield
    }) : () -> ()
    %dma_start3A_115 = arith.constant 0 : i32
    %dma_start3A_116 = arith.constant 0 : i32
    %dma_start3A_117 = tpu.memref_slice %arg2[%dma_start3A_115, %dma_start3A_116] : memref<256x128xf32, #tpu.memory_space<hbm>> -> memref<256x128xf32, #tpu.memory_space<hbm>>
    tpu.enqueue_indirect_dma source(%dma_start3A_117 : memref<256x128xf32, #tpu.memory_space<hbm>>) target(%arg10 : memref<256x128xf32, #tpu.memory_space<vmem>>) offsets(%arg8 : memref<256xi32, #tpu.memory_space<vmem>>) semaphore(%arg12 : memref<!tpu.dma_semaphore, #tpu.memory_space<semaphore_mem>>)
    %dma_wait3A_118 = arith.constant 0 : i32
    %dma_wait3A_119 = arith.constant 0 : i32
    %dma_wait3A_120 = tpu.memref_slice %arg2[%dma_wait3A_118, %dma_wait3A_119] : memref<256x128xf32, #tpu.memory_space<hbm>> -> memref<256x128xf32, #tpu.memory_space<hbm>>
    tpu.wait_indirect_dma semaphore(%arg12 : memref<!tpu.dma_semaphore, #tpu.memory_space<semaphore_mem>>) src(%dma_wait3A_120 : memref<256x128xf32, #tpu.memory_space<hbm>>) dst(%arg10 : memref<256x128xf32, #tpu.memory_space<vmem>>)
    %dma_start3A_121 = arith.constant 0 : i32
    %dma_start3A_122 = tpu.memref_slice %arg6[%add3A_20, %dma_start3A_121] : memref<98304x128xf32, #tpu.memory_space<hbm>> -> memref<256x128xf32, #tpu.memory_space<hbm>>
    %dma_start3A_123 = arith.constant 0 : i32
    %dma_start3A_124 = tpu.memref_slice %arg6[%add3A_20, %dma_start3A_123] : memref<98304x128xf32, #tpu.memory_space<hbm>> -> memref<256x128xf32, #tpu.memory_space<hbm>>
    tpu.enqueue_dma source(%arg10 : memref<256x128xf32, #tpu.memory_space<vmem>>) target(%dma_start3A_124 : memref<256x128xf32, #tpu.memory_space<hbm>>) target_semaphore(%arg13 : memref<!tpu.dma_semaphore, #tpu.memory_space<semaphore_mem>>)
    %dma_wait3A_125 = arith.constant 0 : i32
    %dma_wait3A_126 = tpu.memref_slice %arg6[%add3A_16, %dma_wait3A_125] : memref<98304x128xf32, #tpu.memory_space<hbm>> -> memref<256x128xf32, #tpu.memory_space<hbm>>
    %dma_wait3A_127 = arith.constant 0 : i32
    %dma_wait3A_128 = tpu.memref_slice %arg6[%add3A_16, %dma_wait3A_127] : memref<98304x128xf32, #tpu.memory_space<hbm>> -> memref<256x128xf32, #tpu.memory_space<hbm>>
    tpu.wait_dma2 semaphore(%arg14 : memref<!tpu.dma_semaphore, #tpu.memory_space<semaphore_mem>>) src(%arg11 : memref<256x128xf32, #tpu.memory_space<vmem>>) dst(%dma_wait3A_128 : memref<256x128xf32, #tpu.memory_space<hbm>>)
    "tpu.region"() ({
      %run_scoped3A = tpu.sem_alloc : memref<!tpu.dma_semaphore, #tpu.memory_space<semaphore_mem>>
      %dma_start3A_287 = tpu.memref_slice %arg4[%add3A_24] : memref<98304xi32, #tpu.memory_space<hbm>> -> memref<256xi32, #tpu.memory_space<hbm>>
      %dma_start3A_288 = tpu.memref_slice %arg4[%add3A_24] : memref<98304xi32, #tpu.memory_space<hbm>> -> memref<256xi32, #tpu.memory_space<hbm>>
      tpu.enqueue_dma source(%dma_start3A_288 : memref<256xi32, #tpu.memory_space<hbm>>) target(%arg9 : memref<256xi32, #tpu.memory_space<vmem>>) target_semaphore(%run_scoped3A : memref<!tpu.dma_semaphore, #tpu.memory_space<semaphore_mem>>)
      %dma_wait3A_289 = tpu.memref_slice %arg4[%add3A_24] : memref<98304xi32, #tpu.memory_space<hbm>> -> memref<256xi32, #tpu.memory_space<hbm>>
      %dma_wait3A_290 = tpu.memref_slice %arg4[%add3A_24] : memref<98304xi32, #tpu.memory_space<hbm>> -> memref<256xi32, #tpu.memory_space<hbm>>
      tpu.wait_dma2 semaphore(%run_scoped3A : memref<!tpu.dma_semaphore, #tpu.memory_space<semaphore_mem>>) src(%dma_wait3A_290 : memref<256xi32, #tpu.memory_space<hbm>>) dst(%arg9 : memref<256xi32, #tpu.memory_space<vmem>>)
      tpu.yield
    }) : () -> ()
    %dma_start3A_129 = arith.constant 0 : i32
    %dma_start3A_130 = arith.constant 0 : i32
    %dma_start3A_131 = tpu.memref_slice %arg2[%dma_start3A_129, %dma_start3A_130] : memref<256x128xf32, #tpu.memory_space<hbm>> -> memref<256x128xf32, #tpu.memory_space<hbm>>
    tpu.enqueue_indirect_dma source(%dma_start3A_131 : memref<256x128xf32, #tpu.memory_space<hbm>>) target(%arg11 : memref<256x128xf32, #tpu.memory_space<vmem>>) offsets(%arg9 : memref<256xi32, #tpu.memory_space<vmem>>) semaphore(%arg12 : memref<!tpu.dma_semaphore, #tpu.memory_space<semaphore_mem>>)
    %dma_wait3A_132 = arith.constant 0 : i32
    %dma_wait3A_133 = arith.constant 0 : i32
    %dma_wait3A_134 = tpu.memref_slice %arg2[%dma_wait3A_132, %dma_wait3A_133] : memref<256x128xf32, #tpu.memory_space<hbm>> -> memref<256x128xf32, #tpu.memory_space<hbm>>
    tpu.wait_indirect_dma semaphore(%arg12 : memref<!tpu.dma_semaphore, #tpu.memory_space<semaphore_mem>>) src(%dma_wait3A_134 : memref<256x128xf32, #tpu.memory_space<hbm>>) dst(%arg11 : memref<256x128xf32, #tpu.memory_space<vmem>>)
    %dma_start3A_135 = arith.constant 0 : i32
    %dma_start3A_136 = tpu.memref_slice %arg6[%add3A_24, %dma_start3A_135] : memref<98304x128xf32, #tpu.memory_space<hbm>> -> memref<256x128xf32, #tpu.memory_space<hbm>>
    %dma_start3A_137 = arith.constant 0 : i32
    %dma_start3A_138 = tpu.memref_slice %arg6[%add3A_24, %dma_start3A_137] : memref<98304x128xf32, #tpu.memory_space<hbm>> -> memref<256x128xf32, #tpu.memory_space<hbm>>
    tpu.enqueue_dma source(%arg11 : memref<256x128xf32, #tpu.memory_space<vmem>>) target(%dma_start3A_138 : memref<256x128xf32, #tpu.memory_space<hbm>>) target_semaphore(%arg14 : memref<!tpu.dma_semaphore, #tpu.memory_space<semaphore_mem>>)
    %dma_wait3A_139 = arith.constant 0 : i32
    %dma_wait3A_140 = tpu.memref_slice %arg6[%add3A_20, %dma_wait3A_139] : memref<98304x128xf32, #tpu.memory_space<hbm>> -> memref<256x128xf32, #tpu.memory_space<hbm>>
    %dma_wait3A_141 = arith.constant 0 : i32
    %dma_wait3A_142 = tpu.memref_slice %arg6[%add3A_20, %dma_wait3A_141] : memref<98304x128xf32, #tpu.memory_space<hbm>> -> memref<256x128xf32, #tpu.memory_space<hbm>>
    tpu.wait_dma2 semaphore(%arg13 : memref<!tpu.dma_semaphore, #tpu.memory_space<semaphore_mem>>) src(%arg10 : memref<256x128xf32, #tpu.memory_space<vmem>>) dst(%dma_wait3A_142 : memref<256x128xf32, #tpu.memory_space<hbm>>)
    "tpu.region"() ({
      %run_scoped3A = tpu.sem_alloc : memref<!tpu.dma_semaphore, #tpu.memory_space<semaphore_mem>>
      %dma_start3A_287 = tpu.memref_slice %arg4[%add3A_28] : memref<98304xi32, #tpu.memory_space<hbm>> -> memref<256xi32, #tpu.memory_space<hbm>>
      %dma_start3A_288 = tpu.memref_slice %arg4[%add3A_28] : memref<98304xi32, #tpu.memory_space<hbm>> -> memref<256xi32, #tpu.memory_space<hbm>>
      tpu.enqueue_dma source(%dma_start3A_288 : memref<256xi32, #tpu.memory_space<hbm>>) target(%arg8 : memref<256xi32, #tpu.memory_space<vmem>>) target_semaphore(%run_scoped3A : memref<!tpu.dma_semaphore, #tpu.memory_space<semaphore_mem>>)
      %dma_wait3A_289 = tpu.memref_slice %arg4[%add3A_28] : memref<98304xi32, #tpu.memory_space<hbm>> -> memref<256xi32, #tpu.memory_space<hbm>>
      %dma_wait3A_290 = tpu.memref_slice %arg4[%add3A_28] : memref<98304xi32, #tpu.memory_space<hbm>> -> memref<256xi32, #tpu.memory_space<hbm>>
      tpu.wait_dma2 semaphore(%run_scoped3A : memref<!tpu.dma_semaphore, #tpu.memory_space<semaphore_mem>>) src(%dma_wait3A_290 : memref<256xi32, #tpu.memory_space<hbm>>) dst(%arg8 : memref<256xi32, #tpu.memory_space<vmem>>)
      tpu.yield
    }) : () -> ()
    %dma_start3A_143 = arith.constant 0 : i32
    %dma_start3A_144 = arith.constant 0 : i32
    %dma_start3A_145 = tpu.memref_slice %arg2[%dma_start3A_143, %dma_start3A_144] : memref<256x128xf32, #tpu.memory_space<hbm>> -> memref<256x128xf32, #tpu.memory_space<hbm>>
    tpu.enqueue_indirect_dma source(%dma_start3A_145 : memref<256x128xf32, #tpu.memory_space<hbm>>) target(%arg10 : memref<256x128xf32, #tpu.memory_space<vmem>>) offsets(%arg8 : memref<256xi32, #tpu.memory_space<vmem>>) semaphore(%arg12 : memref<!tpu.dma_semaphore, #tpu.memory_space<semaphore_mem>>)
    %dma_wait3A_146 = arith.constant 0 : i32
    %dma_wait3A_147 = arith.constant 0 : i32
    %dma_wait3A_148 = tpu.memref_slice %arg2[%dma_wait3A_146, %dma_wait3A_147] : memref<256x128xf32, #tpu.memory_space<hbm>> -> memref<256x128xf32, #tpu.memory_space<hbm>>
    tpu.wait_indirect_dma semaphore(%arg12 : memref<!tpu.dma_semaphore, #tpu.memory_space<semaphore_mem>>) src(%dma_wait3A_148 : memref<256x128xf32, #tpu.memory_space<hbm>>) dst(%arg10 : memref<256x128xf32, #tpu.memory_space<vmem>>)
    %dma_start3A_149 = arith.constant 0 : i32
    %dma_start3A_150 = tpu.memref_slice %arg6[%add3A_28, %dma_start3A_149] : memref<98304x128xf32, #tpu.memory_space<hbm>> -> memref<256x128xf32, #tpu.memory_space<hbm>>
    %dma_start3A_151 = arith.constant 0 : i32
    %dma_start3A_152 = tpu.memref_slice %arg6[%add3A_28, %dma_start3A_151] : memref<98304x128xf32, #tpu.memory_space<hbm>> -> memref<256x128xf32, #tpu.memory_space<hbm>>
    tpu.enqueue_dma source(%arg10 : memref<256x128xf32, #tpu.memory_space<vmem>>) target(%dma_start3A_152 : memref<256x128xf32, #tpu.memory_space<hbm>>) target_semaphore(%arg13 : memref<!tpu.dma_semaphore, #tpu.memory_space<semaphore_mem>>)
    %dma_wait3A_153 = arith.constant 0 : i32
    %dma_wait3A_154 = tpu.memref_slice %arg6[%add3A_24, %dma_wait3A_153] : memref<98304x128xf32, #tpu.memory_space<hbm>> -> memref<256x128xf32, #tpu.memory_space<hbm>>
    %dma_wait3A_155 = arith.constant 0 : i32
    %dma_wait3A_156 = tpu.memref_slice %arg6[%add3A_24, %dma_wait3A_155] : memref<98304x128xf32, #tpu.memory_space<hbm>> -> memref<256x128xf32, #tpu.memory_space<hbm>>
    tpu.wait_dma2 semaphore(%arg14 : memref<!tpu.dma_semaphore, #tpu.memory_space<semaphore_mem>>) src(%arg11 : memref<256x128xf32, #tpu.memory_space<vmem>>) dst(%dma_wait3A_156 : memref<256x128xf32, #tpu.memory_space<hbm>>)
    "tpu.region"() ({
      %run_scoped3A = tpu.sem_alloc : memref<!tpu.dma_semaphore, #tpu.memory_space<semaphore_mem>>
      %dma_start3A_287 = tpu.memref_slice %arg4[%add3A_32] : memref<98304xi32, #tpu.memory_space<hbm>> -> memref<256xi32, #tpu.memory_space<hbm>>
      %dma_start3A_288 = tpu.memref_slice %arg4[%add3A_32] : memref<98304xi32, #tpu.memory_space<hbm>> -> memref<256xi32, #tpu.memory_space<hbm>>
      tpu.enqueue_dma source(%dma_start3A_288 : memref<256xi32, #tpu.memory_space<hbm>>) target(%arg9 : memref<256xi32, #tpu.memory_space<vmem>>) target_semaphore(%run_scoped3A : memref<!tpu.dma_semaphore, #tpu.memory_space<semaphore_mem>>)
      %dma_wait3A_289 = tpu.memref_slice %arg4[%add3A_32] : memref<98304xi32, #tpu.memory_space<hbm>> -> memref<256xi32, #tpu.memory_space<hbm>>
      %dma_wait3A_290 = tpu.memref_slice %arg4[%add3A_32] : memref<98304xi32, #tpu.memory_space<hbm>> -> memref<256xi32, #tpu.memory_space<hbm>>
      tpu.wait_dma2 semaphore(%run_scoped3A : memref<!tpu.dma_semaphore, #tpu.memory_space<semaphore_mem>>) src(%dma_wait3A_290 : memref<256xi32, #tpu.memory_space<hbm>>) dst(%arg9 : memref<256xi32, #tpu.memory_space<vmem>>)
      tpu.yield
    }) : () -> ()
    %dma_start3A_157 = arith.constant 0 : i32
    %dma_start3A_158 = arith.constant 0 : i32
    %dma_start3A_159 = tpu.memref_slice %arg2[%dma_start3A_157, %dma_start3A_158] : memref<256x128xf32, #tpu.memory_space<hbm>> -> memref<256x128xf32, #tpu.memory_space<hbm>>
    tpu.enqueue_indirect_dma source(%dma_start3A_159 : memref<256x128xf32, #tpu.memory_space<hbm>>) target(%arg11 : memref<256x128xf32, #tpu.memory_space<vmem>>) offsets(%arg9 : memref<256xi32, #tpu.memory_space<vmem>>) semaphore(%arg12 : memref<!tpu.dma_semaphore, #tpu.memory_space<semaphore_mem>>)
    %dma_wait3A_160 = arith.constant 0 : i32
    %dma_wait3A_161 = arith.constant 0 : i32
    %dma_wait3A_162 = tpu.memref_slice %arg2[%dma_wait3A_160, %dma_wait3A_161] : memref<256x128xf32, #tpu.memory_space<hbm>> -> memref<256x128xf32, #tpu.memory_space<hbm>>
    tpu.wait_indirect_dma semaphore(%arg12 : memref<!tpu.dma_semaphore, #tpu.memory_space<semaphore_mem>>) src(%dma_wait3A_162 : memref<256x128xf32, #tpu.memory_space<hbm>>) dst(%arg11 : memref<256x128xf32, #tpu.memory_space<vmem>>)
    %dma_start3A_163 = arith.constant 0 : i32
    %dma_start3A_164 = tpu.memref_slice %arg6[%add3A_32, %dma_start3A_163] : memref<98304x128xf32, #tpu.memory_space<hbm>> -> memref<256x128xf32, #tpu.memory_space<hbm>>
    %dma_start3A_165 = arith.constant 0 : i32
    %dma_start3A_166 = tpu.memref_slice %arg6[%add3A_32, %dma_start3A_165] : memref<98304x128xf32, #tpu.memory_space<hbm>> -> memref<256x128xf32, #tpu.memory_space<hbm>>
    tpu.enqueue_dma source(%arg11 : memref<256x128xf32, #tpu.memory_space<vmem>>) target(%dma_start3A_166 : memref<256x128xf32, #tpu.memory_space<hbm>>) target_semaphore(%arg14 : memref<!tpu.dma_semaphore, #tpu.memory_space<semaphore_mem>>)
    %dma_wait3A_167 = arith.constant 0 : i32
    %dma_wait3A_168 = tpu.memref_slice %arg6[%add3A_28, %dma_wait3A_167] : memref<98304x128xf32, #tpu.memory_space<hbm>> -> memref<256x128xf32, #tpu.memory_space<hbm>>
    %dma_wait3A_169 = arith.constant 0 : i32
    %dma_wait3A_170 = tpu.memref_slice %arg6[%add3A_28, %dma_wait3A_169] : memref<98304x128xf32, #tpu.memory_space<hbm>> -> memref<256x128xf32, #tpu.memory_space<hbm>>
    tpu.wait_dma2 semaphore(%arg13 : memref<!tpu.dma_semaphore, #tpu.memory_space<semaphore_mem>>) src(%arg10 : memref<256x128xf32, #tpu.memory_space<vmem>>) dst(%dma_wait3A_170 : memref<256x128xf32, #tpu.memory_space<hbm>>)
    "tpu.region"() ({
      %run_scoped3A = tpu.sem_alloc : memref<!tpu.dma_semaphore, #tpu.memory_space<semaphore_mem>>
      %dma_start3A_287 = tpu.memref_slice %arg4[%add3A_36] : memref<98304xi32, #tpu.memory_space<hbm>> -> memref<256xi32, #tpu.memory_space<hbm>>
      %dma_start3A_288 = tpu.memref_slice %arg4[%add3A_36] : memref<98304xi32, #tpu.memory_space<hbm>> -> memref<256xi32, #tpu.memory_space<hbm>>
      tpu.enqueue_dma source(%dma_start3A_288 : memref<256xi32, #tpu.memory_space<hbm>>) target(%arg8 : memref<256xi32, #tpu.memory_space<vmem>>) target_semaphore(%run_scoped3A : memref<!tpu.dma_semaphore, #tpu.memory_space<semaphore_mem>>)
      %dma_wait3A_289 = tpu.memref_slice %arg4[%add3A_36] : memref<98304xi32, #tpu.memory_space<hbm>> -> memref<256xi32, #tpu.memory_space<hbm>>
      %dma_wait3A_290 = tpu.memref_slice %arg4[%add3A_36] : memref<98304xi32, #tpu.memory_space<hbm>> -> memref<256xi32, #tpu.memory_space<hbm>>
      tpu.wait_dma2 semaphore(%run_scoped3A : memref<!tpu.dma_semaphore, #tpu.memory_space<semaphore_mem>>) src(%dma_wait3A_290 : memref<256xi32, #tpu.memory_space<hbm>>) dst(%arg8 : memref<256xi32, #tpu.memory_space<vmem>>)
      tpu.yield
    }) : () -> ()
    %dma_start3A_171 = arith.constant 0 : i32
    %dma_start3A_172 = arith.constant 0 : i32
    %dma_start3A_173 = tpu.memref_slice %arg2[%dma_start3A_171, %dma_start3A_172] : memref<256x128xf32, #tpu.memory_space<hbm>> -> memref<256x128xf32, #tpu.memory_space<hbm>>
    tpu.enqueue_indirect_dma source(%dma_start3A_173 : memref<256x128xf32, #tpu.memory_space<hbm>>) target(%arg10 : memref<256x128xf32, #tpu.memory_space<vmem>>) offsets(%arg8 : memref<256xi32, #tpu.memory_space<vmem>>) semaphore(%arg12 : memref<!tpu.dma_semaphore, #tpu.memory_space<semaphore_mem>>)
    %dma_wait3A_174 = arith.constant 0 : i32
    %dma_wait3A_175 = arith.constant 0 : i32
    %dma_wait3A_176 = tpu.memref_slice %arg2[%dma_wait3A_174, %dma_wait3A_175] : memref<256x128xf32, #tpu.memory_space<hbm>> -> memref<256x128xf32, #tpu.memory_space<hbm>>
    tpu.wait_indirect_dma semaphore(%arg12 : memref<!tpu.dma_semaphore, #tpu.memory_space<semaphore_mem>>) src(%dma_wait3A_176 : memref<256x128xf32, #tpu.memory_space<hbm>>) dst(%arg10 : memref<256x128xf32, #tpu.memory_space<vmem>>)
    %dma_start3A_177 = arith.constant 0 : i32
    %dma_start3A_178 = tpu.memref_slice %arg6[%add3A_36, %dma_start3A_177] : memref<98304x128xf32, #tpu.memory_space<hbm>> -> memref<256x128xf32, #tpu.memory_space<hbm>>
    %dma_start3A_179 = arith.constant 0 : i32
    %dma_start3A_180 = tpu.memref_slice %arg6[%add3A_36, %dma_start3A_179] : memref<98304x128xf32, #tpu.memory_space<hbm>> -> memref<256x128xf32, #tpu.memory_space<hbm>>
    tpu.enqueue_dma source(%arg10 : memref<256x128xf32, #tpu.memory_space<vmem>>) target(%dma_start3A_180 : memref<256x128xf32, #tpu.memory_space<hbm>>) target_semaphore(%arg13 : memref<!tpu.dma_semaphore, #tpu.memory_space<semaphore_mem>>)
    %dma_wait3A_181 = arith.constant 0 : i32
    %dma_wait3A_182 = tpu.memref_slice %arg6[%add3A_32, %dma_wait3A_181] : memref<98304x128xf32, #tpu.memory_space<hbm>> -> memref<256x128xf32, #tpu.memory_space<hbm>>
    %dma_wait3A_183 = arith.constant 0 : i32
    %dma_wait3A_184 = tpu.memref_slice %arg6[%add3A_32, %dma_wait3A_183] : memref<98304x128xf32, #tpu.memory_space<hbm>> -> memref<256x128xf32, #tpu.memory_space<hbm>>
    tpu.wait_dma2 semaphore(%arg14 : memref<!tpu.dma_semaphore, #tpu.memory_space<semaphore_mem>>) src(%arg11 : memref<256x128xf32, #tpu.memory_space<vmem>>) dst(%dma_wait3A_184 : memref<256x128xf32, #tpu.memory_space<hbm>>)
    "tpu.region"() ({
      %run_scoped3A = tpu.sem_alloc : memref<!tpu.dma_semaphore, #tpu.memory_space<semaphore_mem>>
      %dma_start3A_287 = tpu.memref_slice %arg4[%add3A_40] : memref<98304xi32, #tpu.memory_space<hbm>> -> memref<256xi32, #tpu.memory_space<hbm>>
      %dma_start3A_288 = tpu.memref_slice %arg4[%add3A_40] : memref<98304xi32, #tpu.memory_space<hbm>> -> memref<256xi32, #tpu.memory_space<hbm>>
      tpu.enqueue_dma source(%dma_start3A_288 : memref<256xi32, #tpu.memory_space<hbm>>) target(%arg9 : memref<256xi32, #tpu.memory_space<vmem>>) target_semaphore(%run_scoped3A : memref<!tpu.dma_semaphore, #tpu.memory_space<semaphore_mem>>)
      %dma_wait3A_289 = tpu.memref_slice %arg4[%add3A_40] : memref<98304xi32, #tpu.memory_space<hbm>> -> memref<256xi32, #tpu.memory_space<hbm>>
      %dma_wait3A_290 = tpu.memref_slice %arg4[%add3A_40] : memref<98304xi32, #tpu.memory_space<hbm>> -> memref<256xi32, #tpu.memory_space<hbm>>
      tpu.wait_dma2 semaphore(%run_scoped3A : memref<!tpu.dma_semaphore, #tpu.memory_space<semaphore_mem>>) src(%dma_wait3A_290 : memref<256xi32, #tpu.memory_space<hbm>>) dst(%arg9 : memref<256xi32, #tpu.memory_space<vmem>>)
      tpu.yield
    }) : () -> ()
    %dma_start3A_185 = arith.constant 0 : i32
    %dma_start3A_186 = arith.constant 0 : i32
    %dma_start3A_187 = tpu.memref_slice %arg2[%dma_start3A_185, %dma_start3A_186] : memref<256x128xf32, #tpu.memory_space<hbm>> -> memref<256x128xf32, #tpu.memory_space<hbm>>
    tpu.enqueue_indirect_dma source(%dma_start3A_187 : memref<256x128xf32, #tpu.memory_space<hbm>>) target(%arg11 : memref<256x128xf32, #tpu.memory_space<vmem>>) offsets(%arg9 : memref<256xi32, #tpu.memory_space<vmem>>) semaphore(%arg12 : memref<!tpu.dma_semaphore, #tpu.memory_space<semaphore_mem>>)
    %dma_wait3A_188 = arith.constant 0 : i32
    %dma_wait3A_189 = arith.constant 0 : i32
    %dma_wait3A_190 = tpu.memref_slice %arg2[%dma_wait3A_188, %dma_wait3A_189] : memref<256x128xf32, #tpu.memory_space<hbm>> -> memref<256x128xf32, #tpu.memory_space<hbm>>
    tpu.wait_indirect_dma semaphore(%arg12 : memref<!tpu.dma_semaphore, #tpu.memory_space<semaphore_mem>>) src(%dma_wait3A_190 : memref<256x128xf32, #tpu.memory_space<hbm>>) dst(%arg11 : memref<256x128xf32, #tpu.memory_space<vmem>>)
    %dma_start3A_191 = arith.constant 0 : i32
    %dma_start3A_192 = tpu.memref_slice %arg6[%add3A_40, %dma_start3A_191] : memref<98304x128xf32, #tpu.memory_space<hbm>> -> memref<256x128xf32, #tpu.memory_space<hbm>>
    %dma_start3A_193 = arith.constant 0 : i32
    %dma_start3A_194 = tpu.memref_slice %arg6[%add3A_40, %dma_start3A_193] : memref<98304x128xf32, #tpu.memory_space<hbm>> -> memref<256x128xf32, #tpu.memory_space<hbm>>
    tpu.enqueue_dma source(%arg11 : memref<256x128xf32, #tpu.memory_space<vmem>>) target(%dma_start3A_194 : memref<256x128xf32, #tpu.memory_space<hbm>>) target_semaphore(%arg14 : memref<!tpu.dma_semaphore, #tpu.memory_space<semaphore_mem>>)
    %dma_wait3A_195 = arith.constant 0 : i32
    %dma_wait3A_196 = tpu.memref_slice %arg6[%add3A_36, %dma_wait3A_195] : memref<98304x128xf32, #tpu.memory_space<hbm>> -> memref<256x128xf32, #tpu.memory_space<hbm>>
    %dma_wait3A_197 = arith.constant 0 : i32
    %dma_wait3A_198 = tpu.memref_slice %arg6[%add3A_36, %dma_wait3A_197] : memref<98304x128xf32, #tpu.memory_space<hbm>> -> memref<256x128xf32, #tpu.memory_space<hbm>>
    tpu.wait_dma2 semaphore(%arg13 : memref<!tpu.dma_semaphore, #tpu.memory_space<semaphore_mem>>) src(%arg10 : memref<256x128xf32, #tpu.memory_space<vmem>>) dst(%dma_wait3A_198 : memref<256x128xf32, #tpu.memory_space<hbm>>)
    "tpu.region"() ({
      %run_scoped3A = tpu.sem_alloc : memref<!tpu.dma_semaphore, #tpu.memory_space<semaphore_mem>>
      %dma_start3A_287 = tpu.memref_slice %arg4[%add3A_44] : memref<98304xi32, #tpu.memory_space<hbm>> -> memref<256xi32, #tpu.memory_space<hbm>>
      %dma_start3A_288 = tpu.memref_slice %arg4[%add3A_44] : memref<98304xi32, #tpu.memory_space<hbm>> -> memref<256xi32, #tpu.memory_space<hbm>>
      tpu.enqueue_dma source(%dma_start3A_288 : memref<256xi32, #tpu.memory_space<hbm>>) target(%arg8 : memref<256xi32, #tpu.memory_space<vmem>>) target_semaphore(%run_scoped3A : memref<!tpu.dma_semaphore, #tpu.memory_space<semaphore_mem>>)
      %dma_wait3A_289 = tpu.memref_slice %arg4[%add3A_44] : memref<98304xi32, #tpu.memory_space<hbm>> -> memref<256xi32, #tpu.memory_space<hbm>>
      %dma_wait3A_290 = tpu.memref_slice %arg4[%add3A_44] : memref<98304xi32, #tpu.memory_space<hbm>> -> memref<256xi32, #tpu.memory_space<hbm>>
      tpu.wait_dma2 semaphore(%run_scoped3A : memref<!tpu.dma_semaphore, #tpu.memory_space<semaphore_mem>>) src(%dma_wait3A_290 : memref<256xi32, #tpu.memory_space<hbm>>) dst(%arg8 : memref<256xi32, #tpu.memory_space<vmem>>)
      tpu.yield
    }) : () -> ()
    %dma_start3A_199 = arith.constant 0 : i32
    %dma_start3A_200 = arith.constant 0 : i32
    %dma_start3A_201 = tpu.memref_slice %arg2[%dma_start3A_199, %dma_start3A_200] : memref<256x128xf32, #tpu.memory_space<hbm>> -> memref<256x128xf32, #tpu.memory_space<hbm>>
    tpu.enqueue_indirect_dma source(%dma_start3A_201 : memref<256x128xf32, #tpu.memory_space<hbm>>) target(%arg10 : memref<256x128xf32, #tpu.memory_space<vmem>>) offsets(%arg8 : memref<256xi32, #tpu.memory_space<vmem>>) semaphore(%arg12 : memref<!tpu.dma_semaphore, #tpu.memory_space<semaphore_mem>>)
    %dma_wait3A_202 = arith.constant 0 : i32
    %dma_wait3A_203 = arith.constant 0 : i32
    %dma_wait3A_204 = tpu.memref_slice %arg2[%dma_wait3A_202, %dma_wait3A_203] : memref<256x128xf32, #tpu.memory_space<hbm>> -> memref<256x128xf32, #tpu.memory_space<hbm>>
    tpu.wait_indirect_dma semaphore(%arg12 : memref<!tpu.dma_semaphore, #tpu.memory_space<semaphore_mem>>) src(%dma_wait3A_204 : memref<256x128xf32, #tpu.memory_space<hbm>>) dst(%arg10 : memref<256x128xf32, #tpu.memory_space<vmem>>)
    %dma_start3A_205 = arith.constant 0 : i32
    %dma_start3A_206 = tpu.memref_slice %arg6[%add3A_44, %dma_start3A_205] : memref<98304x128xf32, #tpu.memory_space<hbm>> -> memref<256x128xf32, #tpu.memory_space<hbm>>
    %dma_start3A_207 = arith.constant 0 : i32
    %dma_start3A_208 = tpu.memref_slice %arg6[%add3A_44, %dma_start3A_207] : memref<98304x128xf32, #tpu.memory_space<hbm>> -> memref<256x128xf32, #tpu.memory_space<hbm>>
    tpu.enqueue_dma source(%arg10 : memref<256x128xf32, #tpu.memory_space<vmem>>) target(%dma_start3A_208 : memref<256x128xf32, #tpu.memory_space<hbm>>) target_semaphore(%arg13 : memref<!tpu.dma_semaphore, #tpu.memory_space<semaphore_mem>>)
    %dma_wait3A_209 = arith.constant 0 : i32
    %dma_wait3A_210 = tpu.memref_slice %arg6[%add3A_40, %dma_wait3A_209] : memref<98304x128xf32, #tpu.memory_space<hbm>> -> memref<256x128xf32, #tpu.memory_space<hbm>>
    %dma_wait3A_211 = arith.constant 0 : i32
    %dma_wait3A_212 = tpu.memref_slice %arg6[%add3A_40, %dma_wait3A_211] : memref<98304x128xf32, #tpu.memory_space<hbm>> -> memref<256x128xf32, #tpu.memory_space<hbm>>
    tpu.wait_dma2 semaphore(%arg14 : memref<!tpu.dma_semaphore, #tpu.memory_space<semaphore_mem>>) src(%arg11 : memref<256x128xf32, #tpu.memory_space<vmem>>) dst(%dma_wait3A_212 : memref<256x128xf32, #tpu.memory_space<hbm>>)
    "tpu.region"() ({
      %run_scoped3A = tpu.sem_alloc : memref<!tpu.dma_semaphore, #tpu.memory_space<semaphore_mem>>
      %dma_start3A_287 = tpu.memref_slice %arg4[%add3A_48] : memref<98304xi32, #tpu.memory_space<hbm>> -> memref<256xi32, #tpu.memory_space<hbm>>
      %dma_start3A_288 = tpu.memref_slice %arg4[%add3A_48] : memref<98304xi32, #tpu.memory_space<hbm>> -> memref<256xi32, #tpu.memory_space<hbm>>
      tpu.enqueue_dma source(%dma_start3A_288 : memref<256xi32, #tpu.memory_space<hbm>>) target(%arg9 : memref<256xi32, #tpu.memory_space<vmem>>) target_semaphore(%run_scoped3A : memref<!tpu.dma_semaphore, #tpu.memory_space<semaphore_mem>>)
      %dma_wait3A_289 = tpu.memref_slice %arg4[%add3A_48] : memref<98304xi32, #tpu.memory_space<hbm>> -> memref<256xi32, #tpu.memory_space<hbm>>
      %dma_wait3A_290 = tpu.memref_slice %arg4[%add3A_48] : memref<98304xi32, #tpu.memory_space<hbm>> -> memref<256xi32, #tpu.memory_space<hbm>>
      tpu.wait_dma2 semaphore(%run_scoped3A : memref<!tpu.dma_semaphore, #tpu.memory_space<semaphore_mem>>) src(%dma_wait3A_290 : memref<256xi32, #tpu.memory_space<hbm>>) dst(%arg9 : memref<256xi32, #tpu.memory_space<vmem>>)
      tpu.yield
    }) : () -> ()
    %dma_start3A_213 = arith.constant 0 : i32
    %dma_start3A_214 = arith.constant 0 : i32
    %dma_start3A_215 = tpu.memref_slice %arg2[%dma_start3A_213, %dma_start3A_214] : memref<256x128xf32, #tpu.memory_space<hbm>> -> memref<256x128xf32, #tpu.memory_space<hbm>>
    tpu.enqueue_indirect_dma source(%dma_start3A_215 : memref<256x128xf32, #tpu.memory_space<hbm>>) target(%arg11 : memref<256x128xf32, #tpu.memory_space<vmem>>) offsets(%arg9 : memref<256xi32, #tpu.memory_space<vmem>>) semaphore(%arg12 : memref<!tpu.dma_semaphore, #tpu.memory_space<semaphore_mem>>)
    %dma_wait3A_216 = arith.constant 0 : i32
    %dma_wait3A_217 = arith.constant 0 : i32
    %dma_wait3A_218 = tpu.memref_slice %arg2[%dma_wait3A_216, %dma_wait3A_217] : memref<256x128xf32, #tpu.memory_space<hbm>> -> memref<256x128xf32, #tpu.memory_space<hbm>>
    tpu.wait_indirect_dma semaphore(%arg12 : memref<!tpu.dma_semaphore, #tpu.memory_space<semaphore_mem>>) src(%dma_wait3A_218 : memref<256x128xf32, #tpu.memory_space<hbm>>) dst(%arg11 : memref<256x128xf32, #tpu.memory_space<vmem>>)
    %dma_start3A_219 = arith.constant 0 : i32
    %dma_start3A_220 = tpu.memref_slice %arg6[%add3A_48, %dma_start3A_219] : memref<98304x128xf32, #tpu.memory_space<hbm>> -> memref<256x128xf32, #tpu.memory_space<hbm>>
    %dma_start3A_221 = arith.constant 0 : i32
    %dma_start3A_222 = tpu.memref_slice %arg6[%add3A_48, %dma_start3A_221] : memref<98304x128xf32, #tpu.memory_space<hbm>> -> memref<256x128xf32, #tpu.memory_space<hbm>>
    tpu.enqueue_dma source(%arg11 : memref<256x128xf32, #tpu.memory_space<vmem>>) target(%dma_start3A_222 : memref<256x128xf32, #tpu.memory_space<hbm>>) target_semaphore(%arg14 : memref<!tpu.dma_semaphore, #tpu.memory_space<semaphore_mem>>)
    %dma_wait3A_223 = arith.constant 0 : i32
    %dma_wait3A_224 = tpu.memref_slice %arg6[%add3A_44, %dma_wait3A_223] : memref<98304x128xf32, #tpu.memory_space<hbm>> -> memref<256x128xf32, #tpu.memory_space<hbm>>
    %dma_wait3A_225 = arith.constant 0 : i32
    %dma_wait3A_226 = tpu.memref_slice %arg6[%add3A_44, %dma_wait3A_225] : memref<98304x128xf32, #tpu.memory_space<hbm>> -> memref<256x128xf32, #tpu.memory_space<hbm>>
    tpu.wait_dma2 semaphore(%arg13 : memref<!tpu.dma_semaphore, #tpu.memory_space<semaphore_mem>>) src(%arg10 : memref<256x128xf32, #tpu.memory_space<vmem>>) dst(%dma_wait3A_226 : memref<256x128xf32, #tpu.memory_space<hbm>>)
    "tpu.region"() ({
      %run_scoped3A = tpu.sem_alloc : memref<!tpu.dma_semaphore, #tpu.memory_space<semaphore_mem>>
      %dma_start3A_287 = tpu.memref_slice %arg5[%add3A_52] : memref<32768xi32, #tpu.memory_space<hbm>> -> memref<256xi32, #tpu.memory_space<hbm>>
      %dma_start3A_288 = tpu.memref_slice %arg5[%add3A_52] : memref<32768xi32, #tpu.memory_space<hbm>> -> memref<256xi32, #tpu.memory_space<hbm>>
      tpu.enqueue_dma source(%dma_start3A_288 : memref<256xi32, #tpu.memory_space<hbm>>) target(%arg8 : memref<256xi32, #tpu.memory_space<vmem>>) target_semaphore(%run_scoped3A : memref<!tpu.dma_semaphore, #tpu.memory_space<semaphore_mem>>)
      %dma_wait3A_289 = tpu.memref_slice %arg5[%add3A_52] : memref<32768xi32, #tpu.memory_space<hbm>> -> memref<256xi32, #tpu.memory_space<hbm>>
      %dma_wait3A_290 = tpu.memref_slice %arg5[%add3A_52] : memref<32768xi32, #tpu.memory_space<hbm>> -> memref<256xi32, #tpu.memory_space<hbm>>
      tpu.wait_dma2 semaphore(%run_scoped3A : memref<!tpu.dma_semaphore, #tpu.memory_space<semaphore_mem>>) src(%dma_wait3A_290 : memref<256xi32, #tpu.memory_space<hbm>>) dst(%arg8 : memref<256xi32, #tpu.memory_space<vmem>>)
      tpu.yield
    }) : () -> ()
    %dma_start3A_227 = arith.constant 0 : i32
    %dma_start3A_228 = arith.constant 0 : i32
    %dma_start3A_229 = tpu.memref_slice %arg3[%dma_start3A_227, %dma_start3A_228] : memref<256x128xf32, #tpu.memory_space<hbm>> -> memref<256x128xf32, #tpu.memory_space<hbm>>
    tpu.enqueue_indirect_dma source(%dma_start3A_229 : memref<256x128xf32, #tpu.memory_space<hbm>>) target(%arg10 : memref<256x128xf32, #tpu.memory_space<vmem>>) offsets(%arg8 : memref<256xi32, #tpu.memory_space<vmem>>) semaphore(%arg12 : memref<!tpu.dma_semaphore, #tpu.memory_space<semaphore_mem>>)
    %dma_wait3A_230 = arith.constant 0 : i32
    %dma_wait3A_231 = arith.constant 0 : i32
    %dma_wait3A_232 = tpu.memref_slice %arg3[%dma_wait3A_230, %dma_wait3A_231] : memref<256x128xf32, #tpu.memory_space<hbm>> -> memref<256x128xf32, #tpu.memory_space<hbm>>
    tpu.wait_indirect_dma semaphore(%arg12 : memref<!tpu.dma_semaphore, #tpu.memory_space<semaphore_mem>>) src(%dma_wait3A_232 : memref<256x128xf32, #tpu.memory_space<hbm>>) dst(%arg10 : memref<256x128xf32, #tpu.memory_space<vmem>>)
    %dma_start3A_233 = arith.constant 0 : i32
    %dma_start3A_234 = tpu.memref_slice %arg7[%add3A_52, %dma_start3A_233] : memref<32768x128xf32, #tpu.memory_space<hbm>> -> memref<256x128xf32, #tpu.memory_space<hbm>>
    %dma_start3A_235 = arith.constant 0 : i32
    %dma_start3A_236 = tpu.memref_slice %arg7[%add3A_52, %dma_start3A_235] : memref<32768x128xf32, #tpu.memory_space<hbm>> -> memref<256x128xf32, #tpu.memory_space<hbm>>
    tpu.enqueue_dma source(%arg10 : memref<256x128xf32, #tpu.memory_space<vmem>>) target(%dma_start3A_236 : memref<256x128xf32, #tpu.memory_space<hbm>>) target_semaphore(%arg13 : memref<!tpu.dma_semaphore, #tpu.memory_space<semaphore_mem>>)
    %dma_wait3A_237 = arith.constant 0 : i32
    %dma_wait3A_238 = tpu.memref_slice %arg6[%add3A_48, %dma_wait3A_237] : memref<98304x128xf32, #tpu.memory_space<hbm>> -> memref<256x128xf32, #tpu.memory_space<hbm>>
    %dma_wait3A_239 = arith.constant 0 : i32
    %dma_wait3A_240 = tpu.memref_slice %arg6[%add3A_48, %dma_wait3A_239] : memref<98304x128xf32, #tpu.memory_space<hbm>> -> memref<256x128xf32, #tpu.memory_space<hbm>>
    tpu.wait_dma2 semaphore(%arg14 : memref<!tpu.dma_semaphore, #tpu.memory_space<semaphore_mem>>) src(%arg11 : memref<256x128xf32, #tpu.memory_space<vmem>>) dst(%dma_wait3A_240 : memref<256x128xf32, #tpu.memory_space<hbm>>)
    "tpu.region"() ({
      %run_scoped3A = tpu.sem_alloc : memref<!tpu.dma_semaphore, #tpu.memory_space<semaphore_mem>>
      %dma_start3A_287 = tpu.memref_slice %arg5[%add3A_56] : memref<32768xi32, #tpu.memory_space<hbm>> -> memref<256xi32, #tpu.memory_space<hbm>>
      %dma_start3A_288 = tpu.memref_slice %arg5[%add3A_56] : memref<32768xi32, #tpu.memory_space<hbm>> -> memref<256xi32, #tpu.memory_space<hbm>>
      tpu.enqueue_dma source(%dma_start3A_288 : memref<256xi32, #tpu.memory_space<hbm>>) target(%arg9 : memref<256xi32, #tpu.memory_space<vmem>>) target_semaphore(%run_scoped3A : memref<!tpu.dma_semaphore, #tpu.memory_space<semaphore_mem>>)
      %dma_wait3A_289 = tpu.memref_slice %arg5[%add3A_56] : memref<32768xi32, #tpu.memory_space<hbm>> -> memref<256xi32, #tpu.memory_space<hbm>>
      %dma_wait3A_290 = tpu.memref_slice %arg5[%add3A_56] : memref<32768xi32, #tpu.memory_space<hbm>> -> memref<256xi32, #tpu.memory_space<hbm>>
      tpu.wait_dma2 semaphore(%run_scoped3A : memref<!tpu.dma_semaphore, #tpu.memory_space<semaphore_mem>>) src(%dma_wait3A_290 : memref<256xi32, #tpu.memory_space<hbm>>) dst(%arg9 : memref<256xi32, #tpu.memory_space<vmem>>)
      tpu.yield
    }) : () -> ()
    %dma_start3A_241 = arith.constant 0 : i32
    %dma_start3A_242 = arith.constant 0 : i32
    %dma_start3A_243 = tpu.memref_slice %arg3[%dma_start3A_241, %dma_start3A_242] : memref<256x128xf32, #tpu.memory_space<hbm>> -> memref<256x128xf32, #tpu.memory_space<hbm>>
    tpu.enqueue_indirect_dma source(%dma_start3A_243 : memref<256x128xf32, #tpu.memory_space<hbm>>) target(%arg11 : memref<256x128xf32, #tpu.memory_space<vmem>>) offsets(%arg9 : memref<256xi32, #tpu.memory_space<vmem>>) semaphore(%arg12 : memref<!tpu.dma_semaphore, #tpu.memory_space<semaphore_mem>>)
    %dma_wait3A_244 = arith.constant 0 : i32
    %dma_wait3A_245 = arith.constant 0 : i32
    %dma_wait3A_246 = tpu.memref_slice %arg3[%dma_wait3A_244, %dma_wait3A_245] : memref<256x128xf32, #tpu.memory_space<hbm>> -> memref<256x128xf32, #tpu.memory_space<hbm>>
    tpu.wait_indirect_dma semaphore(%arg12 : memref<!tpu.dma_semaphore, #tpu.memory_space<semaphore_mem>>) src(%dma_wait3A_246 : memref<256x128xf32, #tpu.memory_space<hbm>>) dst(%arg11 : memref<256x128xf32, #tpu.memory_space<vmem>>)
    %dma_start3A_247 = arith.constant 0 : i32
    %dma_start3A_248 = tpu.memref_slice %arg7[%add3A_56, %dma_start3A_247] : memref<32768x128xf32, #tpu.memory_space<hbm>> -> memref<256x128xf32, #tpu.memory_space<hbm>>
    %dma_start3A_249 = arith.constant 0 : i32
    %dma_start3A_250 = tpu.memref_slice %arg7[%add3A_56, %dma_start3A_249] : memref<32768x128xf32, #tpu.memory_space<hbm>> -> memref<256x128xf32, #tpu.memory_space<hbm>>
    tpu.enqueue_dma source(%arg11 : memref<256x128xf32, #tpu.memory_space<vmem>>) target(%dma_start3A_250 : memref<256x128xf32, #tpu.memory_space<hbm>>) target_semaphore(%arg14 : memref<!tpu.dma_semaphore, #tpu.memory_space<semaphore_mem>>)
    %dma_wait3A_251 = arith.constant 0 : i32
    %dma_wait3A_252 = tpu.memref_slice %arg7[%add3A_52, %dma_wait3A_251] : memref<32768x128xf32, #tpu.memory_space<hbm>> -> memref<256x128xf32, #tpu.memory_space<hbm>>
    %dma_wait3A_253 = arith.constant 0 : i32
    %dma_wait3A_254 = tpu.memref_slice %arg7[%add3A_52, %dma_wait3A_253] : memref<32768x128xf32, #tpu.memory_space<hbm>> -> memref<256x128xf32, #tpu.memory_space<hbm>>
    tpu.wait_dma2 semaphore(%arg13 : memref<!tpu.dma_semaphore, #tpu.memory_space<semaphore_mem>>) src(%arg10 : memref<256x128xf32, #tpu.memory_space<vmem>>) dst(%dma_wait3A_254 : memref<256x128xf32, #tpu.memory_space<hbm>>)
    "tpu.region"() ({
      %run_scoped3A = tpu.sem_alloc : memref<!tpu.dma_semaphore, #tpu.memory_space<semaphore_mem>>
      %dma_start3A_287 = tpu.memref_slice %arg5[%add3A_60] : memref<32768xi32, #tpu.memory_space<hbm>> -> memref<256xi32, #tpu.memory_space<hbm>>
      %dma_start3A_288 = tpu.memref_slice %arg5[%add3A_60] : memref<32768xi32, #tpu.memory_space<hbm>> -> memref<256xi32, #tpu.memory_space<hbm>>
      tpu.enqueue_dma source(%dma_start3A_288 : memref<256xi32, #tpu.memory_space<hbm>>) target(%arg8 : memref<256xi32, #tpu.memory_space<vmem>>) target_semaphore(%run_scoped3A : memref<!tpu.dma_semaphore, #tpu.memory_space<semaphore_mem>>)
      %dma_wait3A_289 = tpu.memref_slice %arg5[%add3A_60] : memref<32768xi32, #tpu.memory_space<hbm>> -> memref<256xi32, #tpu.memory_space<hbm>>
      %dma_wait3A_290 = tpu.memref_slice %arg5[%add3A_60] : memref<32768xi32, #tpu.memory_space<hbm>> -> memref<256xi32, #tpu.memory_space<hbm>>
      tpu.wait_dma2 semaphore(%run_scoped3A : memref<!tpu.dma_semaphore, #tpu.memory_space<semaphore_mem>>) src(%dma_wait3A_290 : memref<256xi32, #tpu.memory_space<hbm>>) dst(%arg8 : memref<256xi32, #tpu.memory_space<vmem>>)
      tpu.yield
    }) : () -> ()
    %dma_start3A_255 = arith.constant 0 : i32
    %dma_start3A_256 = arith.constant 0 : i32
    %dma_start3A_257 = tpu.memref_slice %arg3[%dma_start3A_255, %dma_start3A_256] : memref<256x128xf32, #tpu.memory_space<hbm>> -> memref<256x128xf32, #tpu.memory_space<hbm>>
    tpu.enqueue_indirect_dma source(%dma_start3A_257 : memref<256x128xf32, #tpu.memory_space<hbm>>) target(%arg10 : memref<256x128xf32, #tpu.memory_space<vmem>>) offsets(%arg8 : memref<256xi32, #tpu.memory_space<vmem>>) semaphore(%arg12 : memref<!tpu.dma_semaphore, #tpu.memory_space<semaphore_mem>>)
    %dma_wait3A_258 = arith.constant 0 : i32
    %dma_wait3A_259 = arith.constant 0 : i32
    %dma_wait3A_260 = tpu.memref_slice %arg3[%dma_wait3A_258, %dma_wait3A_259] : memref<256x128xf32, #tpu.memory_space<hbm>> -> memref<256x128xf32, #tpu.memory_space<hbm>>
    tpu.wait_indirect_dma semaphore(%arg12 : memref<!tpu.dma_semaphore, #tpu.memory_space<semaphore_mem>>) src(%dma_wait3A_260 : memref<256x128xf32, #tpu.memory_space<hbm>>) dst(%arg10 : memref<256x128xf32, #tpu.memory_space<vmem>>)
    %dma_start3A_261 = arith.constant 0 : i32
    %dma_start3A_262 = tpu.memref_slice %arg7[%add3A_60, %dma_start3A_261] : memref<32768x128xf32, #tpu.memory_space<hbm>> -> memref<256x128xf32, #tpu.memory_space<hbm>>
    %dma_start3A_263 = arith.constant 0 : i32
    %dma_start3A_264 = tpu.memref_slice %arg7[%add3A_60, %dma_start3A_263] : memref<32768x128xf32, #tpu.memory_space<hbm>> -> memref<256x128xf32, #tpu.memory_space<hbm>>
    tpu.enqueue_dma source(%arg10 : memref<256x128xf32, #tpu.memory_space<vmem>>) target(%dma_start3A_264 : memref<256x128xf32, #tpu.memory_space<hbm>>) target_semaphore(%arg13 : memref<!tpu.dma_semaphore, #tpu.memory_space<semaphore_mem>>)
    %dma_wait3A_265 = arith.constant 0 : i32
    %dma_wait3A_266 = tpu.memref_slice %arg7[%add3A_56, %dma_wait3A_265] : memref<32768x128xf32, #tpu.memory_space<hbm>> -> memref<256x128xf32, #tpu.memory_space<hbm>>
    %dma_wait3A_267 = arith.constant 0 : i32
    %dma_wait3A_268 = tpu.memref_slice %arg7[%add3A_56, %dma_wait3A_267] : memref<32768x128xf32, #tpu.memory_space<hbm>> -> memref<256x128xf32, #tpu.memory_space<hbm>>
    tpu.wait_dma2 semaphore(%arg14 : memref<!tpu.dma_semaphore, #tpu.memory_space<semaphore_mem>>) src(%arg11 : memref<256x128xf32, #tpu.memory_space<vmem>>) dst(%dma_wait3A_268 : memref<256x128xf32, #tpu.memory_space<hbm>>)
    "tpu.region"() ({
      %run_scoped3A = tpu.sem_alloc : memref<!tpu.dma_semaphore, #tpu.memory_space<semaphore_mem>>
      %dma_start3A_287 = tpu.memref_slice %arg5[%add3A_64] : memref<32768xi32, #tpu.memory_space<hbm>> -> memref<256xi32, #tpu.memory_space<hbm>>
      %dma_start3A_288 = tpu.memref_slice %arg5[%add3A_64] : memref<32768xi32, #tpu.memory_space<hbm>> -> memref<256xi32, #tpu.memory_space<hbm>>
      tpu.enqueue_dma source(%dma_start3A_288 : memref<256xi32, #tpu.memory_space<hbm>>) target(%arg9 : memref<256xi32, #tpu.memory_space<vmem>>) target_semaphore(%run_scoped3A : memref<!tpu.dma_semaphore, #tpu.memory_space<semaphore_mem>>)
      %dma_wait3A_289 = tpu.memref_slice %arg5[%add3A_64] : memref<32768xi32, #tpu.memory_space<hbm>> -> memref<256xi32, #tpu.memory_space<hbm>>
      %dma_wait3A_290 = tpu.memref_slice %arg5[%add3A_64] : memref<32768xi32, #tpu.memory_space<hbm>> -> memref<256xi32, #tpu.memory_space<hbm>>
      tpu.wait_dma2 semaphore(%run_scoped3A : memref<!tpu.dma_semaphore, #tpu.memory_space<semaphore_mem>>) src(%dma_wait3A_290 : memref<256xi32, #tpu.memory_space<hbm>>) dst(%arg9 : memref<256xi32, #tpu.memory_space<vmem>>)
      tpu.yield
    }) : () -> ()
    %dma_start3A_269 = arith.constant 0 : i32
    %dma_start3A_270 = arith.constant 0 : i32
    %dma_start3A_271 = tpu.memref_slice %arg3[%dma_start3A_269, %dma_start3A_270] : memref<256x128xf32, #tpu.memory_space<hbm>> -> memref<256x128xf32, #tpu.memory_space<hbm>>
    tpu.enqueue_indirect_dma source(%dma_start3A_271 : memref<256x128xf32, #tpu.memory_space<hbm>>) target(%arg11 : memref<256x128xf32, #tpu.memory_space<vmem>>) offsets(%arg9 : memref<256xi32, #tpu.memory_space<vmem>>) semaphore(%arg12 : memref<!tpu.dma_semaphore, #tpu.memory_space<semaphore_mem>>)
    %dma_wait3A_272 = arith.constant 0 : i32
    %dma_wait3A_273 = arith.constant 0 : i32
    %dma_wait3A_274 = tpu.memref_slice %arg3[%dma_wait3A_272, %dma_wait3A_273] : memref<256x128xf32, #tpu.memory_space<hbm>> -> memref<256x128xf32, #tpu.memory_space<hbm>>
    tpu.wait_indirect_dma semaphore(%arg12 : memref<!tpu.dma_semaphore, #tpu.memory_space<semaphore_mem>>) src(%dma_wait3A_274 : memref<256x128xf32, #tpu.memory_space<hbm>>) dst(%arg11 : memref<256x128xf32, #tpu.memory_space<vmem>>)
    %dma_start3A_275 = arith.constant 0 : i32
    %dma_start3A_276 = tpu.memref_slice %arg7[%add3A_64, %dma_start3A_275] : memref<32768x128xf32, #tpu.memory_space<hbm>> -> memref<256x128xf32, #tpu.memory_space<hbm>>
    %dma_start3A_277 = arith.constant 0 : i32
    %dma_start3A_278 = tpu.memref_slice %arg7[%add3A_64, %dma_start3A_277] : memref<32768x128xf32, #tpu.memory_space<hbm>> -> memref<256x128xf32, #tpu.memory_space<hbm>>
    tpu.enqueue_dma source(%arg11 : memref<256x128xf32, #tpu.memory_space<vmem>>) target(%dma_start3A_278 : memref<256x128xf32, #tpu.memory_space<hbm>>) target_semaphore(%arg14 : memref<!tpu.dma_semaphore, #tpu.memory_space<semaphore_mem>>)
    %dma_wait3A_279 = arith.constant 0 : i32
    %dma_wait3A_280 = tpu.memref_slice %arg7[%add3A_60, %dma_wait3A_279] : memref<32768x128xf32, #tpu.memory_space<hbm>> -> memref<256x128xf32, #tpu.memory_space<hbm>>
    %dma_wait3A_281 = arith.constant 0 : i32
    %dma_wait3A_282 = tpu.memref_slice %arg7[%add3A_60, %dma_wait3A_281] : memref<32768x128xf32, #tpu.memory_space<hbm>> -> memref<256x128xf32, #tpu.memory_space<hbm>>
    tpu.wait_dma2 semaphore(%arg13 : memref<!tpu.dma_semaphore, #tpu.memory_space<semaphore_mem>>) src(%arg10 : memref<256x128xf32, #tpu.memory_space<vmem>>) dst(%dma_wait3A_282 : memref<256x128xf32, #tpu.memory_space<hbm>>)
    %dma_wait3A_283 = arith.constant 0 : i32
    %dma_wait3A_284 = tpu.memref_slice %arg7[%add3A_64, %dma_wait3A_283] : memref<32768x128xf32, #tpu.memory_space<hbm>> -> memref<256x128xf32, #tpu.memory_space<hbm>>
    %dma_wait3A_285 = arith.constant 0 : i32
    %dma_wait3A_286 = tpu.memref_slice %arg7[%add3A_64, %dma_wait3A_285] : memref<32768x128xf32, #tpu.memory_space<hbm>> -> memref<256x128xf32, #tpu.memory_space<hbm>>
    tpu.wait_dma2 semaphore(%arg14 : memref<!tpu.dma_semaphore, #tpu.memory_space<semaphore_mem>>) src(%arg11 : memref<256x128xf32, #tpu.memory_space<vmem>>) dst(%dma_wait3A_286 : memref<256x128xf32, #tpu.memory_space<hbm>>)
    return
  }
}

module attributes {stable_mosaic.version = 14 : i64} {
  func.func @_mvec_body(%arg0: memref<1x196xf32, #tpu.memory_space<vmem>>, %arg1: memref<196x128xf32, #tpu.memory_space<vmem>>, %arg2: memref<1x128xf32, #tpu.memory_space<vmem>>, %arg3: memref<256x128xf32, #tpu.memory_space<vmem>>, %arg4: memref<256x128xf32, #tpu.memory_space<vmem>>) attributes {dimension_semantics = [], scalar_prefetch = 0 : i64, scratch_operands = 0 : i64, tpu.core_type = #tpu.core_type<tc>} {
    %get3A = arith.constant 0 : index
    %get3A_0 = arith.constant 0 : index
    %get3A_1 = vector.load %arg0[%get3A, %get3A_0] : memref<1x196xf32, #tpu.memory_space<vmem>>, vector<1x196xf32>
    %get3A_2 = arith.constant 0 : index
    %get3A_3 = arith.constant 0 : index
    %get3A_4 = vector.load %arg1[%get3A_2, %get3A_3] : memref<196x128xf32, #tpu.memory_space<vmem>>, vector<196x128xf32>
    %dot_general3A = arith.constant dense<0.000000e+00> : vector<1x128xf32>
    %dot_general3A_5 = tpu.matmul %get3A_1, %get3A_4, %dot_general3A {dimension_numbers = #tpu.dot_dimension_numbers<[1], [0], [0], [1], [0, 0, 1, 1], [], []>, transpose_lhs_hint = false} : vector<1x196xf32>, vector<196x128xf32>, vector<1x128xf32> -> vector<1x128xf32>
    %get3A_6 = arith.constant 0 : index
    %get3A_7 = arith.constant 0 : index
    %get3A_8 = vector.load %arg2[%get3A_6, %get3A_7] : memref<1x128xf32, #tpu.memory_space<vmem>>, vector<1x128xf32>
    %add3A = arith.addf %dot_general3A_5, %get3A_8 : vector<1x128xf32>
    %get3A_9 = arith.constant 0 : index
    %get3A_10 = arith.constant 0 : index
    %get3A_11 = vector.load %arg3[%get3A_9, %get3A_10] : memref<256x128xf32, #tpu.memory_space<vmem>>, vector<256x128xf32>
    %add3A_12 = vector.broadcast %add3A : vector<1x128xf32> to vector<256x128xf32>
    %add3A_13 = arith.addf %get3A_11, %add3A_12 : vector<256x128xf32>
    %swap3A = arith.constant 0 : index
    %swap3A_14 = arith.constant 0 : index
    %swap3A_15 = vector.load %arg4[%swap3A, %swap3A_14] : memref<256x128xf32, #tpu.memory_space<vmem>>, vector<256x128xf32>
    tpu.vector_store %arg4[%swap3A, %swap3A_14], %add3A_13 {strides = array<i32>} : memref<256x128xf32, #tpu.memory_space<vmem>>, vector<256x128xf32>,
    return
  }
}

module attributes {stable_mosaic.version = 14 : i64} {
  func.func @_enc_body(%arg0: i32, %arg1: memref<16x256xi32, #tpu.memory_space<vmem>>, %arg2: memref<16x256x196xf32, #tpu.memory_space<vmem>>, %arg3: memref<196x128xf32, #tpu.memory_space<vmem>>, %arg4: memref<1x128xf32, #tpu.memory_space<vmem>>, %arg5: memref<256x128xf32, #tpu.memory_space<vmem>>, %arg6: memref<16x64x128xf32, #tpu.memory_space<vmem>>) attributes {dimension_semantics = [#tpu.dimension_semantics<parallel>], iteration_bounds = array<i64: 32>, scalar_prefetch = 0 : i64, scratch_operands = 0 : i64, tpu.core_type = #tpu.core_type<tc>, window_params = [{transform_indices = @transform_0, window_bounds = array<i64: 16, 256>}, {transform_indices = @transform_1, window_bounds = array<i64: 16, 256, 196>}, {pipeline_mode = #tpu.pipeline_mode<synchronous>, transform_indices = @transform_2, window_bounds = array<i64: 196, 128>}, {pipeline_mode = #tpu.pipeline_mode<synchronous>, transform_indices = @transform_3, window_bounds = array<i64: 1, 128>}, {pipeline_mode = #tpu.pipeline_mode<synchronous>, transform_indices = @transform_4, window_bounds = array<i64: 256, 128>}, {transform_indices = @transform_5, window_bounds = array<i64: 16, 64, 128>}]} {
    %get3A = arith.constant 0 : index
    %get3A_0 = arith.constant 0 : index
    %get3A_1 = vector.load %arg3[%get3A, %get3A_0] : memref<196x128xf32, #tpu.memory_space<vmem>>, vector<196x128xf32>
    %convert_element_type3A = arith.truncf %get3A_1 : vector<196x128xf32> to vector<196x128xbf16>
    %get3A_2 = arith.constant 0 : index
    %get3A_3 = arith.constant 0 : index
    %get3A_4 = vector.load %arg4[%get3A_2, %get3A_3] : memref<1x128xf32, #tpu.memory_space<vmem>>, vector<1x128xf32>
    %get3A_5 = arith.constant 0 : index
    %get3A_6 = arith.constant 0 : index
    %get3A_7 = vector.load %arg5[%get3A_5, %get3A_6] : memref<256x128xf32, #tpu.memory_space<vmem>>, vector<256x128xf32>
    %convert_element_type3A_8 = arith.truncf %get3A_7 : vector<256x128xf32> to vector<256x128xbf16>
    %get3A_9 = arith.constant 0 : index
    %get3A_10 = arith.constant 192 : index
    %get3A_11 = vector.load %arg1[%get3A_9, %get3A_10] : memref<16x256xi32, #tpu.memory_space<vmem>>, vector<1x64xi32>
    %get3A_12 = vector.shape_cast %get3A_11 : vector<1x64xi32> to vector<64xi32>
    %reshape3A = vector.shape_cast %get3A_12 : vector<64xi32> to vector<64x1xi32>
    %iota3A = tpu.iota {dimensions = array<i32: 1>} : vector<64x256xi32>
    %eq3A = vector.broadcast %reshape3A : vector<64x1xi32> to vector<64x256xi32>
    %eq3A_13 = arith.cmpi eq, %eq3A, %iota3A : vector<64x256xi32>
    %convert_element_type3A_14 = arith.extui %eq3A_13 : vector<64x256xi1> to vector<64x256xi32>
    %convert_element_type3A_15 = arith.sitofp %convert_element_type3A_14 : vector<64x256xi32> to vector<64x256xf32>
    %convert_element_type3A_16 = arith.truncf %convert_element_type3A_15 : vector<64x256xf32> to vector<64x256xbf16>
    %dot_general3A = arith.constant dense<0.000000e+00> : vector<64x128xf32>
    %dot_general3A_17 = tpu.matmul %convert_element_type3A_16, %convert_element_type3A_8, %dot_general3A {dimension_numbers = #tpu.dot_dimension_numbers<[1], [0], [0], [1], [0, 0, 1, 1], [], []>, transpose_lhs_hint = false} : vector<64x256xbf16>, vector<256x128xbf16>, vector<64x128xf32> -> vector<64x128xf32>
    %get3A_18 = arith.constant 0 : index
    %get3A_19 = arith.constant 0 : index
    %get3A_20 = arith.constant 0 : index
    %get3A_21 = vector.load %arg2[%get3A_18, %get3A_19, %get3A_20] : memref<16x256x196xf32, #tpu.memory_space<vmem>>, vector<1x256x196xf32>
    %get3A_22 = vector.shape_cast %get3A_21 : vector<1x256x196xf32> to vector<256x196xf32>
    %convert_element_type3A_23 = arith.truncf %get3A_22 : vector<256x196xf32> to vector<256x196xbf16>
    %dot_general3A_24 = arith.constant dense<0.000000e+00> : vector<64x196xf32>
    %dot_general3A_25 = tpu.matmul %convert_element_type3A_16, %convert_element_type3A_23, %dot_general3A_24 {dimension_numbers = #tpu.dot_dimension_numbers<[1], [0], [0], [1], [0, 0, 1, 1], [], []>, transpose_lhs_hint = false} : vector<64x256xbf16>, vector<256x196xbf16>, vector<64x196xf32> -> vector<64x196xf32>
    %convert_element_type3A_26 = arith.truncf %dot_general3A_25 : vector<64x196xf32> to vector<64x196xbf16>
    %dot_general3A_27 = arith.constant dense<0.000000e+00> : vector<64x128xf32>
    %dot_general3A_28 = tpu.matmul %convert_element_type3A_26, %convert_element_type3A, %dot_general3A_27 {dimension_numbers = #tpu.dot_dimension_numbers<[1], [0], [0], [1], [0, 0, 1, 1], [], []>, transpose_lhs_hint = false} : vector<64x196xbf16>, vector<196x128xbf16>, vector<64x128xf32> -> vector<64x128xf32>
    %add3A = vector.broadcast %get3A_4 : vector<1x128xf32> to vector<64x128xf32>
    %add3A_29 = arith.addf %dot_general3A_28, %add3A : vector<64x128xf32>
    %add3A_30 = arith.addf %add3A_29, %dot_general3A_17 : vector<64x128xf32>
    %swap3A = arith.constant 0 : index
    %swap3A_31 = arith.constant 0 : index
    %swap3A_32 = arith.constant 0 : index
    %swap3A_33 = vector.load %arg6[%swap3A, %swap3A_31, %swap3A_32] : memref<16x64x128xf32, #tpu.memory_space<vmem>>, vector<1x64x128xf32>
    %swap3A_34 = vector.shape_cast %swap3A_33 : vector<1x64x128xf32> to vector<64x128xf32>
    %swap3A_35 = vector.shape_cast %add3A_30 : vector<64x128xf32> to vector<1x64x128xf32>
    tpu.vector_store %arg6[%swap3A, %swap3A_31, %swap3A_32], %swap3A_35 {strides = array<i32>} : memref<16x64x128xf32, #tpu.memory_space<vmem>>, vector<1x64x128xf32>,
    %get3A_36 = arith.constant 1 : index
    %get3A_37 = arith.constant 192 : index
    %get3A_38 = vector.load %arg1[%get3A_36, %get3A_37] : memref<16x256xi32, #tpu.memory_space<vmem>>, vector<1x64xi32>
    %get3A_39 = vector.shape_cast %get3A_38 : vector<1x64xi32> to vector<64xi32>
    %reshape3A_40 = vector.shape_cast %get3A_39 : vector<64xi32> to vector<64x1xi32>
    %iota3A_41 = tpu.iota {dimensions = array<i32: 1>} : vector<64x256xi32>
    %eq3A_42 = vector.broadcast %reshape3A_40 : vector<64x1xi32> to vector<64x256xi32>
    %eq3A_43 = arith.cmpi eq, %eq3A_42, %iota3A_41 : vector<64x256xi32>
    %convert_element_type3A_44 = arith.extui %eq3A_43 : vector<64x256xi1> to vector<64x256xi32>
    %convert_element_type3A_45 = arith.sitofp %convert_element_type3A_44 : vector<64x256xi32> to vector<64x256xf32>
    %convert_element_type3A_46 = arith.truncf %convert_element_type3A_45 : vector<64x256xf32> to vector<64x256xbf16>
    %dot_general3A_47 = arith.constant dense<0.000000e+00> : vector<64x128xf32>
    %dot_general3A_48 = tpu.matmul %convert_element_type3A_46, %convert_element_type3A_8, %dot_general3A_47 {dimension_numbers = #tpu.dot_dimension_numbers<[1], [0], [0], [1], [0, 0, 1, 1], [], []>, transpose_lhs_hint = false} : vector<64x256xbf16>, vector<256x128xbf16>, vector<64x128xf32> -> vector<64x128xf32>
    %get3A_49 = arith.constant 1 : index
    %get3A_50 = arith.constant 0 : index
    %get3A_51 = arith.constant 0 : index
    %get3A_52 = vector.load %arg2[%get3A_49, %get3A_50, %get3A_51] : memref<16x256x196xf32, #tpu.memory_space<vmem>>, vector<1x256x196xf32>
    %get3A_53 = vector.shape_cast %get3A_52 : vector<1x256x196xf32> to vector<256x196xf32>
    %convert_element_type3A_54 = arith.truncf %get3A_53 : vector<256x196xf32> to vector<256x196xbf16>
    %dot_general3A_55 = arith.constant dense<0.000000e+00> : vector<64x196xf32>
    %dot_general3A_56 = tpu.matmul %convert_element_type3A_46, %convert_element_type3A_54, %dot_general3A_55 {dimension_numbers = #tpu.dot_dimension_numbers<[1], [0], [0], [1], [0, 0, 1, 1], [], []>, transpose_lhs_hint = false} : vector<64x256xbf16>, vector<256x196xbf16>, vector<64x196xf32> -> vector<64x196xf32>
    %convert_element_type3A_57 = arith.truncf %dot_general3A_56 : vector<64x196xf32> to vector<64x196xbf16>
    %dot_general3A_58 = arith.constant dense<0.000000e+00> : vector<64x128xf32>
    %dot_general3A_59 = tpu.matmul %convert_element_type3A_57, %convert_element_type3A, %dot_general3A_58 {dimension_numbers = #tpu.dot_dimension_numbers<[1], [0], [0], [1], [0, 0, 1, 1], [], []>, transpose_lhs_hint = false} : vector<64x196xbf16>, vector<196x128xbf16>, vector<64x128xf32> -> vector<64x128xf32>
    %add3A_60 = vector.broadcast %get3A_4 : vector<1x128xf32> to vector<64x128xf32>
    %add3A_61 = arith.addf %dot_general3A_59, %add3A_60 : vector<64x128xf32>
    %add3A_62 = arith.addf %add3A_61, %dot_general3A_48 : vector<64x128xf32>
    %swap3A_63 = arith.constant 1 : index
    %swap3A_64 = arith.constant 0 : index
    %swap3A_65 = arith.constant 0 : index
    %swap3A_66 = vector.load %arg6[%swap3A_63, %swap3A_64, %swap3A_65] : memref<16x64x128xf32, #tpu.memory_space<vmem>>, vector<1x64x128xf32>
    %swap3A_67 = vector.shape_cast %swap3A_66 : vector<1x64x128xf32> to vector<64x128xf32>
    %swap3A_68 = vector.shape_cast %add3A_62 : vector<64x128xf32> to vector<1x64x128xf32>
    tpu.vector_store %arg6[%swap3A_63, %swap3A_64, %swap3A_65], %swap3A_68 {strides = array<i32>} : memref<16x64x128xf32, #tpu.memory_space<vmem>>, vector<1x64x128xf32>,
    %get3A_69 = arith.constant 2 : index
    %get3A_70 = arith.constant 192 : index
    %get3A_71 = vector.load %arg1[%get3A_69, %get3A_70] : memref<16x256xi32, #tpu.memory_space<vmem>>, vector<1x64xi32>
    %get3A_72 = vector.shape_cast %get3A_71 : vector<1x64xi32> to vector<64xi32>
    %reshape3A_73 = vector.shape_cast %get3A_72 : vector<64xi32> to vector<64x1xi32>
    %iota3A_74 = tpu.iota {dimensions = array<i32: 1>} : vector<64x256xi32>
    %eq3A_75 = vector.broadcast %reshape3A_73 : vector<64x1xi32> to vector<64x256xi32>
    %eq3A_76 = arith.cmpi eq, %eq3A_75, %iota3A_74 : vector<64x256xi32>
    %convert_element_type3A_77 = arith.extui %eq3A_76 : vector<64x256xi1> to vector<64x256xi32>
    %convert_element_type3A_78 = arith.sitofp %convert_element_type3A_77 : vector<64x256xi32> to vector<64x256xf32>
    %convert_element_type3A_79 = arith.truncf %convert_element_type3A_78 : vector<64x256xf32> to vector<64x256xbf16>
    %dot_general3A_80 = arith.constant dense<0.000000e+00> : vector<64x128xf32>
    %dot_general3A_81 = tpu.matmul %convert_element_type3A_79, %convert_element_type3A_8, %dot_general3A_80 {dimension_numbers = #tpu.dot_dimension_numbers<[1], [0], [0], [1], [0, 0, 1, 1], [], []>, transpose_lhs_hint = false} : vector<64x256xbf16>, vector<256x128xbf16>, vector<64x128xf32> -> vector<64x128xf32>
    %get3A_82 = arith.constant 2 : index
    %get3A_83 = arith.constant 0 : index
    %get3A_84 = arith.constant 0 : index
    %get3A_85 = vector.load %arg2[%get3A_82, %get3A_83, %get3A_84] : memref<16x256x196xf32, #tpu.memory_space<vmem>>, vector<1x256x196xf32>
    %get3A_86 = vector.shape_cast %get3A_85 : vector<1x256x196xf32> to vector<256x196xf32>
    %convert_element_type3A_87 = arith.truncf %get3A_86 : vector<256x196xf32> to vector<256x196xbf16>
    %dot_general3A_88 = arith.constant dense<0.000000e+00> : vector<64x196xf32>
    %dot_general3A_89 = tpu.matmul %convert_element_type3A_79, %convert_element_type3A_87, %dot_general3A_88 {dimension_numbers = #tpu.dot_dimension_numbers<[1], [0], [0], [1], [0, 0, 1, 1], [], []>, transpose_lhs_hint = false} : vector<64x256xbf16>, vector<256x196xbf16>, vector<64x196xf32> -> vector<64x196xf32>
    %convert_element_type3A_90 = arith.truncf %dot_general3A_89 : vector<64x196xf32> to vector<64x196xbf16>
    %dot_general3A_91 = arith.constant dense<0.000000e+00> : vector<64x128xf32>
    %dot_general3A_92 = tpu.matmul %convert_element_type3A_90, %convert_element_type3A, %dot_general3A_91 {dimension_numbers = #tpu.dot_dimension_numbers<[1], [0], [0], [1], [0, 0, 1, 1], [], []>, transpose_lhs_hint = false} : vector<64x196xbf16>, vector<196x128xbf16>, vector<64x128xf32> -> vector<64x128xf32>
    %add3A_93 = vector.broadcast %get3A_4 : vector<1x128xf32> to vector<64x128xf32>
    %add3A_94 = arith.addf %dot_general3A_92, %add3A_93 : vector<64x128xf32>
    %add3A_95 = arith.addf %add3A_94, %dot_general3A_81 : vector<64x128xf32>
    %swap3A_96 = arith.constant 2 : index
    %swap3A_97 = arith.constant 0 : index
    %swap3A_98 = arith.constant 0 : index
    %swap3A_99 = vector.load %arg6[%swap3A_96, %swap3A_97, %swap3A_98] : memref<16x64x128xf32, #tpu.memory_space<vmem>>, vector<1x64x128xf32>
    %swap3A_100 = vector.shape_cast %swap3A_99 : vector<1x64x128xf32> to vector<64x128xf32>
    %swap3A_101 = vector.shape_cast %add3A_95 : vector<64x128xf32> to vector<1x64x128xf32>
    tpu.vector_store %arg6[%swap3A_96, %swap3A_97, %swap3A_98], %swap3A_101 {strides = array<i32>} : memref<16x64x128xf32, #tpu.memory_space<vmem>>, vector<1x64x128xf32>,
    %get3A_102 = arith.constant 3 : index
    %get3A_103 = arith.constant 192 : index
    %get3A_104 = vector.load %arg1[%get3A_102, %get3A_103] : memref<16x256xi32, #tpu.memory_space<vmem>>, vector<1x64xi32>
    %get3A_105 = vector.shape_cast %get3A_104 : vector<1x64xi32> to vector<64xi32>
    %reshape3A_106 = vector.shape_cast %get3A_105 : vector<64xi32> to vector<64x1xi32>
    %iota3A_107 = tpu.iota {dimensions = array<i32: 1>} : vector<64x256xi32>
    %eq3A_108 = vector.broadcast %reshape3A_106 : vector<64x1xi32> to vector<64x256xi32>
    %eq3A_109 = arith.cmpi eq, %eq3A_108, %iota3A_107 : vector<64x256xi32>
    %convert_element_type3A_110 = arith.extui %eq3A_109 : vector<64x256xi1> to vector<64x256xi32>
    %convert_element_type3A_111 = arith.sitofp %convert_element_type3A_110 : vector<64x256xi32> to vector<64x256xf32>
    %convert_element_type3A_112 = arith.truncf %convert_element_type3A_111 : vector<64x256xf32> to vector<64x256xbf16>
    %dot_general3A_113 = arith.constant dense<0.000000e+00> : vector<64x128xf32>
    %dot_general3A_114 = tpu.matmul %convert_element_type3A_112, %convert_element_type3A_8, %dot_general3A_113 {dimension_numbers = #tpu.dot_dimension_numbers<[1], [0], [0], [1], [0, 0, 1, 1], [], []>, transpose_lhs_hint = false} : vector<64x256xbf16>, vector<256x128xbf16>, vector<64x128xf32> -> vector<64x128xf32>
    %get3A_115 = arith.constant 3 : index
    %get3A_116 = arith.constant 0 : index
    %get3A_117 = arith.constant 0 : index
    %get3A_118 = vector.load %arg2[%get3A_115, %get3A_116, %get3A_117] : memref<16x256x196xf32, #tpu.memory_space<vmem>>, vector<1x256x196xf32>
    %get3A_119 = vector.shape_cast %get3A_118 : vector<1x256x196xf32> to vector<256x196xf32>
    %convert_element_type3A_120 = arith.truncf %get3A_119 : vector<256x196xf32> to vector<256x196xbf16>
    %dot_general3A_121 = arith.constant dense<0.000000e+00> : vector<64x196xf32>
    %dot_general3A_122 = tpu.matmul %convert_element_type3A_112, %convert_element_type3A_120, %dot_general3A_121 {dimension_numbers = #tpu.dot_dimension_numbers<[1], [0], [0], [1], [0, 0, 1, 1], [], []>, transpose_lhs_hint = false} : vector<64x256xbf16>, vector<256x196xbf16>, vector<64x196xf32> -> vector<64x196xf32>
    %convert_element_type3A_123 = arith.truncf %dot_general3A_122 : vector<64x196xf32> to vector<64x196xbf16>
    %dot_general3A_124 = arith.constant dense<0.000000e+00> : vector<64x128xf32>
    %dot_general3A_125 = tpu.matmul %convert_element_type3A_123, %convert_element_type3A, %dot_general3A_124 {dimension_numbers = #tpu.dot_dimension_numbers<[1], [0], [0], [1], [0, 0, 1, 1], [], []>, transpose_lhs_hint = false} : vector<64x196xbf16>, vector<196x128xbf16>, vector<64x128xf32> -> vector<64x128xf32>
    %add3A_126 = vector.broadcast %get3A_4 : vector<1x128xf32> to vector<64x128xf32>
    %add3A_127 = arith.addf %dot_general3A_125, %add3A_126 : vector<64x128xf32>
    %add3A_128 = arith.addf %add3A_127, %dot_general3A_114 : vector<64x128xf32>
    %swap3A_129 = arith.constant 3 : index
    %swap3A_130 = arith.constant 0 : index
    %swap3A_131 = arith.constant 0 : index
    %swap3A_132 = vector.load %arg6[%swap3A_129, %swap3A_130, %swap3A_131] : memref<16x64x128xf32, #tpu.memory_space<vmem>>, vector<1x64x128xf32>
    %swap3A_133 = vector.shape_cast %swap3A_132 : vector<1x64x128xf32> to vector<64x128xf32>
    %swap3A_134 = vector.shape_cast %add3A_128 : vector<64x128xf32> to vector<1x64x128xf32>
    tpu.vector_store %arg6[%swap3A_129, %swap3A_130, %swap3A_131], %swap3A_134 {strides = array<i32>} : memref<16x64x128xf32, #tpu.memory_space<vmem>>, vector<1x64x128xf32>,
    %get3A_135 = arith.constant 4 : index
    %get3A_136 = arith.constant 192 : index
    %get3A_137 = vector.load %arg1[%get3A_135, %get3A_136] : memref<16x256xi32, #tpu.memory_space<vmem>>, vector<1x64xi32>
    %get3A_138 = vector.shape_cast %get3A_137 : vector<1x64xi32> to vector<64xi32>
    %reshape3A_139 = vector.shape_cast %get3A_138 : vector<64xi32> to vector<64x1xi32>
    %iota3A_140 = tpu.iota {dimensions = array<i32: 1>} : vector<64x256xi32>
    %eq3A_141 = vector.broadcast %reshape3A_139 : vector<64x1xi32> to vector<64x256xi32>
    %eq3A_142 = arith.cmpi eq, %eq3A_141, %iota3A_140 : vector<64x256xi32>
    %convert_element_type3A_143 = arith.extui %eq3A_142 : vector<64x256xi1> to vector<64x256xi32>
    %convert_element_type3A_144 = arith.sitofp %convert_element_type3A_143 : vector<64x256xi32> to vector<64x256xf32>
    %convert_element_type3A_145 = arith.truncf %convert_element_type3A_144 : vector<64x256xf32> to vector<64x256xbf16>
    %dot_general3A_146 = arith.constant dense<0.000000e+00> : vector<64x128xf32>
    %dot_general3A_147 = tpu.matmul %convert_element_type3A_145, %convert_element_type3A_8, %dot_general3A_146 {dimension_numbers = #tpu.dot_dimension_numbers<[1], [0], [0], [1], [0, 0, 1, 1], [], []>, transpose_lhs_hint = false} : vector<64x256xbf16>, vector<256x128xbf16>, vector<64x128xf32> -> vector<64x128xf32>
    %get3A_148 = arith.constant 4 : index
    %get3A_149 = arith.constant 0 : index
    %get3A_150 = arith.constant 0 : index
    %get3A_151 = vector.load %arg2[%get3A_148, %get3A_149, %get3A_150] : memref<16x256x196xf32, #tpu.memory_space<vmem>>, vector<1x256x196xf32>
    %get3A_152 = vector.shape_cast %get3A_151 : vector<1x256x196xf32> to vector<256x196xf32>
    %convert_element_type3A_153 = arith.truncf %get3A_152 : vector<256x196xf32> to vector<256x196xbf16>
    %dot_general3A_154 = arith.constant dense<0.000000e+00> : vector<64x196xf32>
    %dot_general3A_155 = tpu.matmul %convert_element_type3A_145, %convert_element_type3A_153, %dot_general3A_154 {dimension_numbers = #tpu.dot_dimension_numbers<[1], [0], [0], [1], [0, 0, 1, 1], [], []>, transpose_lhs_hint = false} : vector<64x256xbf16>, vector<256x196xbf16>, vector<64x196xf32> -> vector<64x196xf32>
    %convert_element_type3A_156 = arith.truncf %dot_general3A_155 : vector<64x196xf32> to vector<64x196xbf16>
    %dot_general3A_157 = arith.constant dense<0.000000e+00> : vector<64x128xf32>
    %dot_general3A_158 = tpu.matmul %convert_element_type3A_156, %convert_element_type3A, %dot_general3A_157 {dimension_numbers = #tpu.dot_dimension_numbers<[1], [0], [0], [1], [0, 0, 1, 1], [], []>, transpose_lhs_hint = false} : vector<64x196xbf16>, vector<196x128xbf16>, vector<64x128xf32> -> vector<64x128xf32>
    %add3A_159 = vector.broadcast %get3A_4 : vector<1x128xf32> to vector<64x128xf32>
    %add3A_160 = arith.addf %dot_general3A_158, %add3A_159 : vector<64x128xf32>
    %add3A_161 = arith.addf %add3A_160, %dot_general3A_147 : vector<64x128xf32>
    %swap3A_162 = arith.constant 4 : index
    %swap3A_163 = arith.constant 0 : index
    %swap3A_164 = arith.constant 0 : index
    %swap3A_165 = vector.load %arg6[%swap3A_162, %swap3A_163, %swap3A_164] : memref<16x64x128xf32, #tpu.memory_space<vmem>>, vector<1x64x128xf32>
    %swap3A_166 = vector.shape_cast %swap3A_165 : vector<1x64x128xf32> to vector<64x128xf32>
    %swap3A_167 = vector.shape_cast %add3A_161 : vector<64x128xf32> to vector<1x64x128xf32>
    tpu.vector_store %arg6[%swap3A_162, %swap3A_163, %swap3A_164], %swap3A_167 {strides = array<i32>} : memref<16x64x128xf32, #tpu.memory_space<vmem>>, vector<1x64x128xf32>,
    %get3A_168 = arith.constant 5 : index
    %get3A_169 = arith.constant 192 : index
    %get3A_170 = vector.load %arg1[%get3A_168, %get3A_169] : memref<16x256xi32, #tpu.memory_space<vmem>>, vector<1x64xi32>
    %get3A_171 = vector.shape_cast %get3A_170 : vector<1x64xi32> to vector<64xi32>
    %reshape3A_172 = vector.shape_cast %get3A_171 : vector<64xi32> to vector<64x1xi32>
    %iota3A_173 = tpu.iota {dimensions = array<i32: 1>} : vector<64x256xi32>
    %eq3A_174 = vector.broadcast %reshape3A_172 : vector<64x1xi32> to vector<64x256xi32>
    %eq3A_175 = arith.cmpi eq, %eq3A_174, %iota3A_173 : vector<64x256xi32>
    %convert_element_type3A_176 = arith.extui %eq3A_175 : vector<64x256xi1> to vector<64x256xi32>
    %convert_element_type3A_177 = arith.sitofp %convert_element_type3A_176 : vector<64x256xi32> to vector<64x256xf32>
    %convert_element_type3A_178 = arith.truncf %convert_element_type3A_177 : vector<64x256xf32> to vector<64x256xbf16>
    %dot_general3A_179 = arith.constant dense<0.000000e+00> : vector<64x128xf32>
    %dot_general3A_180 = tpu.matmul %convert_element_type3A_178, %convert_element_type3A_8, %dot_general3A_179 {dimension_numbers = #tpu.dot_dimension_numbers<[1], [0], [0], [1], [0, 0, 1, 1], [], []>, transpose_lhs_hint = false} : vector<64x256xbf16>, vector<256x128xbf16>, vector<64x128xf32> -> vector<64x128xf32>
    %get3A_181 = arith.constant 5 : index
    %get3A_182 = arith.constant 0 : index
    %get3A_183 = arith.constant 0 : index
    %get3A_184 = vector.load %arg2[%get3A_181, %get3A_182, %get3A_183] : memref<16x256x196xf32, #tpu.memory_space<vmem>>, vector<1x256x196xf32>
    %get3A_185 = vector.shape_cast %get3A_184 : vector<1x256x196xf32> to vector<256x196xf32>
    %convert_element_type3A_186 = arith.truncf %get3A_185 : vector<256x196xf32> to vector<256x196xbf16>
    %dot_general3A_187 = arith.constant dense<0.000000e+00> : vector<64x196xf32>
    %dot_general3A_188 = tpu.matmul %convert_element_type3A_178, %convert_element_type3A_186, %dot_general3A_187 {dimension_numbers = #tpu.dot_dimension_numbers<[1], [0], [0], [1], [0, 0, 1, 1], [], []>, transpose_lhs_hint = false} : vector<64x256xbf16>, vector<256x196xbf16>, vector<64x196xf32> -> vector<64x196xf32>
    %convert_element_type3A_189 = arith.truncf %dot_general3A_188 : vector<64x196xf32> to vector<64x196xbf16>
    %dot_general3A_190 = arith.constant dense<0.000000e+00> : vector<64x128xf32>
    %dot_general3A_191 = tpu.matmul %convert_element_type3A_189, %convert_element_type3A, %dot_general3A_190 {dimension_numbers = #tpu.dot_dimension_numbers<[1], [0], [0], [1], [0, 0, 1, 1], [], []>, transpose_lhs_hint = false} : vector<64x196xbf16>, vector<196x128xbf16>, vector<64x128xf32> -> vector<64x128xf32>
    %add3A_192 = vector.broadcast %get3A_4 : vector<1x128xf32> to vector<64x128xf32>
    %add3A_193 = arith.addf %dot_general3A_191, %add3A_192 : vector<64x128xf32>
    %add3A_194 = arith.addf %add3A_193, %dot_general3A_180 : vector<64x128xf32>
    %swap3A_195 = arith.constant 5 : index
    %swap3A_196 = arith.constant 0 : index
    %swap3A_197 = arith.constant 0 : index
    %swap3A_198 = vector.load %arg6[%swap3A_195, %swap3A_196, %swap3A_197] : memref<16x64x128xf32, #tpu.memory_space<vmem>>, vector<1x64x128xf32>
    %swap3A_199 = vector.shape_cast %swap3A_198 : vector<1x64x128xf32> to vector<64x128xf32>
    %swap3A_200 = vector.shape_cast %add3A_194 : vector<64x128xf32> to vector<1x64x128xf32>
    tpu.vector_store %arg6[%swap3A_195, %swap3A_196, %swap3A_197], %swap3A_200 {strides = array<i32>} : memref<16x64x128xf32, #tpu.memory_space<vmem>>, vector<1x64x128xf32>,
    %get3A_201 = arith.constant 6 : index
    %get3A_202 = arith.constant 192 : index
    %get3A_203 = vector.load %arg1[%get3A_201, %get3A_202] : memref<16x256xi32, #tpu.memory_space<vmem>>, vector<1x64xi32>
    %get3A_204 = vector.shape_cast %get3A_203 : vector<1x64xi32> to vector<64xi32>
    %reshape3A_205 = vector.shape_cast %get3A_204 : vector<64xi32> to vector<64x1xi32>
    %iota3A_206 = tpu.iota {dimensions = array<i32: 1>} : vector<64x256xi32>
    %eq3A_207 = vector.broadcast %reshape3A_205 : vector<64x1xi32> to vector<64x256xi32>
    %eq3A_208 = arith.cmpi eq, %eq3A_207, %iota3A_206 : vector<64x256xi32>
    %convert_element_type3A_209 = arith.extui %eq3A_208 : vector<64x256xi1> to vector<64x256xi32>
    %convert_element_type3A_210 = arith.sitofp %convert_element_type3A_209 : vector<64x256xi32> to vector<64x256xf32>
    %convert_element_type3A_211 = arith.truncf %convert_element_type3A_210 : vector<64x256xf32> to vector<64x256xbf16>
    %dot_general3A_212 = arith.constant dense<0.000000e+00> : vector<64x128xf32>
    %dot_general3A_213 = tpu.matmul %convert_element_type3A_211, %convert_element_type3A_8, %dot_general3A_212 {dimension_numbers = #tpu.dot_dimension_numbers<[1], [0], [0], [1], [0, 0, 1, 1], [], []>, transpose_lhs_hint = false} : vector<64x256xbf16>, vector<256x128xbf16>, vector<64x128xf32> -> vector<64x128xf32>
    %get3A_214 = arith.constant 6 : index
    %get3A_215 = arith.constant 0 : index
    %get3A_216 = arith.constant 0 : index
    %get3A_217 = vector.load %arg2[%get3A_214, %get3A_215, %get3A_216] : memref<16x256x196xf32, #tpu.memory_space<vmem>>, vector<1x256x196xf32>
    %get3A_218 = vector.shape_cast %get3A_217 : vector<1x256x196xf32> to vector<256x196xf32>
    %convert_element_type3A_219 = arith.truncf %get3A_218 : vector<256x196xf32> to vector<256x196xbf16>
    %dot_general3A_220 = arith.constant dense<0.000000e+00> : vector<64x196xf32>
    %dot_general3A_221 = tpu.matmul %convert_element_type3A_211, %convert_element_type3A_219, %dot_general3A_220 {dimension_numbers = #tpu.dot_dimension_numbers<[1], [0], [0], [1], [0, 0, 1, 1], [], []>, transpose_lhs_hint = false} : vector<64x256xbf16>, vector<256x196xbf16>, vector<64x196xf32> -> vector<64x196xf32>
    %convert_element_type3A_222 = arith.truncf %dot_general3A_221 : vector<64x196xf32> to vector<64x196xbf16>
    %dot_general3A_223 = arith.constant dense<0.000000e+00> : vector<64x128xf32>
    %dot_general3A_224 = tpu.matmul %convert_element_type3A_222, %convert_element_type3A, %dot_general3A_223 {dimension_numbers = #tpu.dot_dimension_numbers<[1], [0], [0], [1], [0, 0, 1, 1], [], []>, transpose_lhs_hint = false} : vector<64x196xbf16>, vector<196x128xbf16>, vector<64x128xf32> -> vector<64x128xf32>
    %add3A_225 = vector.broadcast %get3A_4 : vector<1x128xf32> to vector<64x128xf32>
    %add3A_226 = arith.addf %dot_general3A_224, %add3A_225 : vector<64x128xf32>
    %add3A_227 = arith.addf %add3A_226, %dot_general3A_213 : vector<64x128xf32>
    %swap3A_228 = arith.constant 6 : index
    %swap3A_229 = arith.constant 0 : index
    %swap3A_230 = arith.constant 0 : index
    %swap3A_231 = vector.load %arg6[%swap3A_228, %swap3A_229, %swap3A_230] : memref<16x64x128xf32, #tpu.memory_space<vmem>>, vector<1x64x128xf32>
    %swap3A_232 = vector.shape_cast %swap3A_231 : vector<1x64x128xf32> to vector<64x128xf32>
    %swap3A_233 = vector.shape_cast %add3A_227 : vector<64x128xf32> to vector<1x64x128xf32>
    tpu.vector_store %arg6[%swap3A_228, %swap3A_229, %swap3A_230], %swap3A_233 {strides = array<i32>} : memref<16x64x128xf32, #tpu.memory_space<vmem>>, vector<1x64x128xf32>,
    %get3A_234 = arith.constant 7 : index
    %get3A_235 = arith.constant 192 : index
    %get3A_236 = vector.load %arg1[%get3A_234, %get3A_235] : memref<16x256xi32, #tpu.memory_space<vmem>>, vector<1x64xi32>
    %get3A_237 = vector.shape_cast %get3A_236 : vector<1x64xi32> to vector<64xi32>
    %reshape3A_238 = vector.shape_cast %get3A_237 : vector<64xi32> to vector<64x1xi32>
    %iota3A_239 = tpu.iota {dimensions = array<i32: 1>} : vector<64x256xi32>
    %eq3A_240 = vector.broadcast %reshape3A_238 : vector<64x1xi32> to vector<64x256xi32>
    %eq3A_241 = arith.cmpi eq, %eq3A_240, %iota3A_239 : vector<64x256xi32>
    %convert_element_type3A_242 = arith.extui %eq3A_241 : vector<64x256xi1> to vector<64x256xi32>
    %convert_element_type3A_243 = arith.sitofp %convert_element_type3A_242 : vector<64x256xi32> to vector<64x256xf32>
    %convert_element_type3A_244 = arith.truncf %convert_element_type3A_243 : vector<64x256xf32> to vector<64x256xbf16>
    %dot_general3A_245 = arith.constant dense<0.000000e+00> : vector<64x128xf32>
    %dot_general3A_246 = tpu.matmul %convert_element_type3A_244, %convert_element_type3A_8, %dot_general3A_245 {dimension_numbers = #tpu.dot_dimension_numbers<[1], [0], [0], [1], [0, 0, 1, 1], [], []>, transpose_lhs_hint = false} : vector<64x256xbf16>, vector<256x128xbf16>, vector<64x128xf32> -> vector<64x128xf32>
    %get3A_247 = arith.constant 7 : index
    %get3A_248 = arith.constant 0 : index
    %get3A_249 = arith.constant 0 : index
    %get3A_250 = vector.load %arg2[%get3A_247, %get3A_248, %get3A_249] : memref<16x256x196xf32, #tpu.memory_space<vmem>>, vector<1x256x196xf32>
    %get3A_251 = vector.shape_cast %get3A_250 : vector<1x256x196xf32> to vector<256x196xf32>
    %convert_element_type3A_252 = arith.truncf %get3A_251 : vector<256x196xf32> to vector<256x196xbf16>
    %dot_general3A_253 = arith.constant dense<0.000000e+00> : vector<64x196xf32>
    %dot_general3A_254 = tpu.matmul %convert_element_type3A_244, %convert_element_type3A_252, %dot_general3A_253 {dimension_numbers = #tpu.dot_dimension_numbers<[1], [0], [0], [1], [0, 0, 1, 1], [], []>, transpose_lhs_hint = false} : vector<64x256xbf16>, vector<256x196xbf16>, vector<64x196xf32> -> vector<64x196xf32>
    %convert_element_type3A_255 = arith.truncf %dot_general3A_254 : vector<64x196xf32> to vector<64x196xbf16>
    %dot_general3A_256 = arith.constant dense<0.000000e+00> : vector<64x128xf32>
    %dot_general3A_257 = tpu.matmul %convert_element_type3A_255, %convert_element_type3A, %dot_general3A_256 {dimension_numbers = #tpu.dot_dimension_numbers<[1], [0], [0], [1], [0, 0, 1, 1], [], []>, transpose_lhs_hint = false} : vector<64x196xbf16>, vector<196x128xbf16>, vector<64x128xf32> -> vector<64x128xf32>
    %add3A_258 = vector.broadcast %get3A_4 : vector<1x128xf32> to vector<64x128xf32>
    %add3A_259 = arith.addf %dot_general3A_257, %add3A_258 : vector<64x128xf32>
    %add3A_260 = arith.addf %add3A_259, %dot_general3A_246 : vector<64x128xf32>
    %swap3A_261 = arith.constant 7 : index
    %swap3A_262 = arith.constant 0 : index
    %swap3A_263 = arith.constant 0 : index
    %swap3A_264 = vector.load %arg6[%swap3A_261, %swap3A_262, %swap3A_263] : memref<16x64x128xf32, #tpu.memory_space<vmem>>, vector<1x64x128xf32>
    %swap3A_265 = vector.shape_cast %swap3A_264 : vector<1x64x128xf32> to vector<64x128xf32>
    %swap3A_266 = vector.shape_cast %add3A_260 : vector<64x128xf32> to vector<1x64x128xf32>
    tpu.vector_store %arg6[%swap3A_261, %swap3A_262, %swap3A_263], %swap3A_266 {strides = array<i32>} : memref<16x64x128xf32, #tpu.memory_space<vmem>>, vector<1x64x128xf32>,
    %get3A_267 = arith.constant 8 : index
    %get3A_268 = arith.constant 192 : index
    %get3A_269 = vector.load %arg1[%get3A_267, %get3A_268] : memref<16x256xi32, #tpu.memory_space<vmem>>, vector<1x64xi32>
    %get3A_270 = vector.shape_cast %get3A_269 : vector<1x64xi32> to vector<64xi32>
    %reshape3A_271 = vector.shape_cast %get3A_270 : vector<64xi32> to vector<64x1xi32>
    %iota3A_272 = tpu.iota {dimensions = array<i32: 1>} : vector<64x256xi32>
    %eq3A_273 = vector.broadcast %reshape3A_271 : vector<64x1xi32> to vector<64x256xi32>
    %eq3A_274 = arith.cmpi eq, %eq3A_273, %iota3A_272 : vector<64x256xi32>
    %convert_element_type3A_275 = arith.extui %eq3A_274 : vector<64x256xi1> to vector<64x256xi32>
    %convert_element_type3A_276 = arith.sitofp %convert_element_type3A_275 : vector<64x256xi32> to vector<64x256xf32>
    %convert_element_type3A_277 = arith.truncf %convert_element_type3A_276 : vector<64x256xf32> to vector<64x256xbf16>
    %dot_general3A_278 = arith.constant dense<0.000000e+00> : vector<64x128xf32>
    %dot_general3A_279 = tpu.matmul %convert_element_type3A_277, %convert_element_type3A_8, %dot_general3A_278 {dimension_numbers = #tpu.dot_dimension_numbers<[1], [0], [0], [1], [0, 0, 1, 1], [], []>, transpose_lhs_hint = false} : vector<64x256xbf16>, vector<256x128xbf16>, vector<64x128xf32> -> vector<64x128xf32>
    %get3A_280 = arith.constant 8 : index
    %get3A_281 = arith.constant 0 : index
    %get3A_282 = arith.constant 0 : index
    %get3A_283 = vector.load %arg2[%get3A_280, %get3A_281, %get3A_282] : memref<16x256x196xf32, #tpu.memory_space<vmem>>, vector<1x256x196xf32>
    %get3A_284 = vector.shape_cast %get3A_283 : vector<1x256x196xf32> to vector<256x196xf32>
    %convert_element_type3A_285 = arith.truncf %get3A_284 : vector<256x196xf32> to vector<256x196xbf16>
    %dot_general3A_286 = arith.constant dense<0.000000e+00> : vector<64x196xf32>
    %dot_general3A_287 = tpu.matmul %convert_element_type3A_277, %convert_element_type3A_285, %dot_general3A_286 {dimension_numbers = #tpu.dot_dimension_numbers<[1], [0], [0], [1], [0, 0, 1, 1], [], []>, transpose_lhs_hint = false} : vector<64x256xbf16>, vector<256x196xbf16>, vector<64x196xf32> -> vector<64x196xf32>
    %convert_element_type3A_288 = arith.truncf %dot_general3A_287 : vector<64x196xf32> to vector<64x196xbf16>
    %dot_general3A_289 = arith.constant dense<0.000000e+00> : vector<64x128xf32>
    %dot_general3A_290 = tpu.matmul %convert_element_type3A_288, %convert_element_type3A, %dot_general3A_289 {dimension_numbers = #tpu.dot_dimension_numbers<[1], [0], [0], [1], [0, 0, 1, 1], [], []>, transpose_lhs_hint = false} : vector<64x196xbf16>, vector<196x128xbf16>, vector<64x128xf32> -> vector<64x128xf32>
    %add3A_291 = vector.broadcast %get3A_4 : vector<1x128xf32> to vector<64x128xf32>
    %add3A_292 = arith.addf %dot_general3A_290, %add3A_291 : vector<64x128xf32>
    %add3A_293 = arith.addf %add3A_292, %dot_general3A_279 : vector<64x128xf32>
    %swap3A_294 = arith.constant 8 : index
    %swap3A_295 = arith.constant 0 : index
    %swap3A_296 = arith.constant 0 : index
    %swap3A_297 = vector.load %arg6[%swap3A_294, %swap3A_295, %swap3A_296] : memref<16x64x128xf32, #tpu.memory_space<vmem>>, vector<1x64x128xf32>
    %swap3A_298 = vector.shape_cast %swap3A_297 : vector<1x64x128xf32> to vector<64x128xf32>
    %swap3A_299 = vector.shape_cast %add3A_293 : vector<64x128xf32> to vector<1x64x128xf32>
    tpu.vector_store %arg6[%swap3A_294, %swap3A_295, %swap3A_296], %swap3A_299 {strides = array<i32>} : memref<16x64x128xf32, #tpu.memory_space<vmem>>, vector<1x64x128xf32>,
    %get3A_300 = arith.constant 9 : index
    %get3A_301 = arith.constant 192 : index
    %get3A_302 = vector.load %arg1[%get3A_300, %get3A_301] : memref<16x256xi32, #tpu.memory_space<vmem>>, vector<1x64xi32>
    %get3A_303 = vector.shape_cast %get3A_302 : vector<1x64xi32> to vector<64xi32>
    %reshape3A_304 = vector.shape_cast %get3A_303 : vector<64xi32> to vector<64x1xi32>
    %iota3A_305 = tpu.iota {dimensions = array<i32: 1>} : vector<64x256xi32>
    %eq3A_306 = vector.broadcast %reshape3A_304 : vector<64x1xi32> to vector<64x256xi32>
    %eq3A_307 = arith.cmpi eq, %eq3A_306, %iota3A_305 : vector<64x256xi32>
    %convert_element_type3A_308 = arith.extui %eq3A_307 : vector<64x256xi1> to vector<64x256xi32>
    %convert_element_type3A_309 = arith.sitofp %convert_element_type3A_308 : vector<64x256xi32> to vector<64x256xf32>
    %convert_element_type3A_310 = arith.truncf %convert_element_type3A_309 : vector<64x256xf32> to vector<64x256xbf16>
    %dot_general3A_311 = arith.constant dense<0.000000e+00> : vector<64x128xf32>
    %dot_general3A_312 = tpu.matmul %convert_element_type3A_310, %convert_element_type3A_8, %dot_general3A_311 {dimension_numbers = #tpu.dot_dimension_numbers<[1], [0], [0], [1], [0, 0, 1, 1], [], []>, transpose_lhs_hint = false} : vector<64x256xbf16>, vector<256x128xbf16>, vector<64x128xf32> -> vector<64x128xf32>
    %get3A_313 = arith.constant 9 : index
    %get3A_314 = arith.constant 0 : index
    %get3A_315 = arith.constant 0 : index
    %get3A_316 = vector.load %arg2[%get3A_313, %get3A_314, %get3A_315] : memref<16x256x196xf32, #tpu.memory_space<vmem>>, vector<1x256x196xf32>
    %get3A_317 = vector.shape_cast %get3A_316 : vector<1x256x196xf32> to vector<256x196xf32>
    %convert_element_type3A_318 = arith.truncf %get3A_317 : vector<256x196xf32> to vector<256x196xbf16>
    %dot_general3A_319 = arith.constant dense<0.000000e+00> : vector<64x196xf32>
    %dot_general3A_320 = tpu.matmul %convert_element_type3A_310, %convert_element_type3A_318, %dot_general3A_319 {dimension_numbers = #tpu.dot_dimension_numbers<[1], [0], [0], [1], [0, 0, 1, 1], [], []>, transpose_lhs_hint = false} : vector<64x256xbf16>, vector<256x196xbf16>, vector<64x196xf32> -> vector<64x196xf32>
    %convert_element_type3A_321 = arith.truncf %dot_general3A_320 : vector<64x196xf32> to vector<64x196xbf16>
    %dot_general3A_322 = arith.constant dense<0.000000e+00> : vector<64x128xf32>
    %dot_general3A_323 = tpu.matmul %convert_element_type3A_321, %convert_element_type3A, %dot_general3A_322 {dimension_numbers = #tpu.dot_dimension_numbers<[1], [0], [0], [1], [0, 0, 1, 1], [], []>, transpose_lhs_hint = false} : vector<64x196xbf16>, vector<196x128xbf16>, vector<64x128xf32> -> vector<64x128xf32>
    %add3A_324 = vector.broadcast %get3A_4 : vector<1x128xf32> to vector<64x128xf32>
    %add3A_325 = arith.addf %dot_general3A_323, %add3A_324 : vector<64x128xf32>
    %add3A_326 = arith.addf %add3A_325, %dot_general3A_312 : vector<64x128xf32>
    %swap3A_327 = arith.constant 9 : index
    %swap3A_328 = arith.constant 0 : index
    %swap3A_329 = arith.constant 0 : index
    %swap3A_330 = vector.load %arg6[%swap3A_327, %swap3A_328, %swap3A_329] : memref<16x64x128xf32, #tpu.memory_space<vmem>>, vector<1x64x128xf32>
    %swap3A_331 = vector.shape_cast %swap3A_330 : vector<1x64x128xf32> to vector<64x128xf32>
    %swap3A_332 = vector.shape_cast %add3A_326 : vector<64x128xf32> to vector<1x64x128xf32>
    tpu.vector_store %arg6[%swap3A_327, %swap3A_328, %swap3A_329], %swap3A_332 {strides = array<i32>} : memref<16x64x128xf32, #tpu.memory_space<vmem>>, vector<1x64x128xf32>,
    %get3A_333 = arith.constant 10 : index
    %get3A_334 = arith.constant 192 : index
    %get3A_335 = vector.load %arg1[%get3A_333, %get3A_334] : memref<16x256xi32, #tpu.memory_space<vmem>>, vector<1x64xi32>
    %get3A_336 = vector.shape_cast %get3A_335 : vector<1x64xi32> to vector<64xi32>
    %reshape3A_337 = vector.shape_cast %get3A_336 : vector<64xi32> to vector<64x1xi32>
    %iota3A_338 = tpu.iota {dimensions = array<i32: 1>} : vector<64x256xi32>
    %eq3A_339 = vector.broadcast %reshape3A_337 : vector<64x1xi32> to vector<64x256xi32>
    %eq3A_340 = arith.cmpi eq, %eq3A_339, %iota3A_338 : vector<64x256xi32>
    %convert_element_type3A_341 = arith.extui %eq3A_340 : vector<64x256xi1> to vector<64x256xi32>
    %convert_element_type3A_342 = arith.sitofp %convert_element_type3A_341 : vector<64x256xi32> to vector<64x256xf32>
    %convert_element_type3A_343 = arith.truncf %convert_element_type3A_342 : vector<64x256xf32> to vector<64x256xbf16>
    %dot_general3A_344 = arith.constant dense<0.000000e+00> : vector<64x128xf32>
    %dot_general3A_345 = tpu.matmul %convert_element_type3A_343, %convert_element_type3A_8, %dot_general3A_344 {dimension_numbers = #tpu.dot_dimension_numbers<[1], [0], [0], [1], [0, 0, 1, 1], [], []>, transpose_lhs_hint = false} : vector<64x256xbf16>, vector<256x128xbf16>, vector<64x128xf32> -> vector<64x128xf32>
    %get3A_346 = arith.constant 10 : index
    %get3A_347 = arith.constant 0 : index
    %get3A_348 = arith.constant 0 : index
    %get3A_349 = vector.load %arg2[%get3A_346, %get3A_347, %get3A_348] : memref<16x256x196xf32, #tpu.memory_space<vmem>>, vector<1x256x196xf32>
    %get3A_350 = vector.shape_cast %get3A_349 : vector<1x256x196xf32> to vector<256x196xf32>
    %convert_element_type3A_351 = arith.truncf %get3A_350 : vector<256x196xf32> to vector<256x196xbf16>
    %dot_general3A_352 = arith.constant dense<0.000000e+00> : vector<64x196xf32>
    %dot_general3A_353 = tpu.matmul %convert_element_type3A_343, %convert_element_type3A_351, %dot_general3A_352 {dimension_numbers = #tpu.dot_dimension_numbers<[1], [0], [0], [1], [0, 0, 1, 1], [], []>, transpose_lhs_hint = false} : vector<64x256xbf16>, vector<256x196xbf16>, vector<64x196xf32> -> vector<64x196xf32>
    %convert_element_type3A_354 = arith.truncf %dot_general3A_353 : vector<64x196xf32> to vector<64x196xbf16>
    %dot_general3A_355 = arith.constant dense<0.000000e+00> : vector<64x128xf32>
    %dot_general3A_356 = tpu.matmul %convert_element_type3A_354, %convert_element_type3A, %dot_general3A_355 {dimension_numbers = #tpu.dot_dimension_numbers<[1], [0], [0], [1], [0, 0, 1, 1], [], []>, transpose_lhs_hint = false} : vector<64x196xbf16>, vector<196x128xbf16>, vector<64x128xf32> -> vector<64x128xf32>
    %add3A_357 = vector.broadcast %get3A_4 : vector<1x128xf32> to vector<64x128xf32>
    %add3A_358 = arith.addf %dot_general3A_356, %add3A_357 : vector<64x128xf32>
    %add3A_359 = arith.addf %add3A_358, %dot_general3A_345 : vector<64x128xf32>
    %swap3A_360 = arith.constant 10 : index
    %swap3A_361 = arith.constant 0 : index
    %swap3A_362 = arith.constant 0 : index
    %swap3A_363 = vector.load %arg6[%swap3A_360, %swap3A_361, %swap3A_362] : memref<16x64x128xf32, #tpu.memory_space<vmem>>, vector<1x64x128xf32>
    %swap3A_364 = vector.shape_cast %swap3A_363 : vector<1x64x128xf32> to vector<64x128xf32>
    %swap3A_365 = vector.shape_cast %add3A_359 : vector<64x128xf32> to vector<1x64x128xf32>
    tpu.vector_store %arg6[%swap3A_360, %swap3A_361, %swap3A_362], %swap3A_365 {strides = array<i32>} : memref<16x64x128xf32, #tpu.memory_space<vmem>>, vector<1x64x128xf32>,
    %get3A_366 = arith.constant 11 : index
    %get3A_367 = arith.constant 192 : index
    %get3A_368 = vector.load %arg1[%get3A_366, %get3A_367] : memref<16x256xi32, #tpu.memory_space<vmem>>, vector<1x64xi32>
    %get3A_369 = vector.shape_cast %get3A_368 : vector<1x64xi32> to vector<64xi32>
    %reshape3A_370 = vector.shape_cast %get3A_369 : vector<64xi32> to vector<64x1xi32>
    %iota3A_371 = tpu.iota {dimensions = array<i32: 1>} : vector<64x256xi32>
    %eq3A_372 = vector.broadcast %reshape3A_370 : vector<64x1xi32> to vector<64x256xi32>
    %eq3A_373 = arith.cmpi eq, %eq3A_372, %iota3A_371 : vector<64x256xi32>
    %convert_element_type3A_374 = arith.extui %eq3A_373 : vector<64x256xi1> to vector<64x256xi32>
    %convert_element_type3A_375 = arith.sitofp %convert_element_type3A_374 : vector<64x256xi32> to vector<64x256xf32>
    %convert_element_type3A_376 = arith.truncf %convert_element_type3A_375 : vector<64x256xf32> to vector<64x256xbf16>
    %dot_general3A_377 = arith.constant dense<0.000000e+00> : vector<64x128xf32>
    %dot_general3A_378 = tpu.matmul %convert_element_type3A_376, %convert_element_type3A_8, %dot_general3A_377 {dimension_numbers = #tpu.dot_dimension_numbers<[1], [0], [0], [1], [0, 0, 1, 1], [], []>, transpose_lhs_hint = false} : vector<64x256xbf16>, vector<256x128xbf16>, vector<64x128xf32> -> vector<64x128xf32>
    %get3A_379 = arith.constant 11 : index
    %get3A_380 = arith.constant 0 : index
    %get3A_381 = arith.constant 0 : index
    %get3A_382 = vector.load %arg2[%get3A_379, %get3A_380, %get3A_381] : memref<16x256x196xf32, #tpu.memory_space<vmem>>, vector<1x256x196xf32>
    %get3A_383 = vector.shape_cast %get3A_382 : vector<1x256x196xf32> to vector<256x196xf32>
    %convert_element_type3A_384 = arith.truncf %get3A_383 : vector<256x196xf32> to vector<256x196xbf16>
    %dot_general3A_385 = arith.constant dense<0.000000e+00> : vector<64x196xf32>
    %dot_general3A_386 = tpu.matmul %convert_element_type3A_376, %convert_element_type3A_384, %dot_general3A_385 {dimension_numbers = #tpu.dot_dimension_numbers<[1], [0], [0], [1], [0, 0, 1, 1], [], []>, transpose_lhs_hint = false} : vector<64x256xbf16>, vector<256x196xbf16>, vector<64x196xf32> -> vector<64x196xf32>
    %convert_element_type3A_387 = arith.truncf %dot_general3A_386 : vector<64x196xf32> to vector<64x196xbf16>
    %dot_general3A_388 = arith.constant dense<0.000000e+00> : vector<64x128xf32>
    %dot_general3A_389 = tpu.matmul %convert_element_type3A_387, %convert_element_type3A, %dot_general3A_388 {dimension_numbers = #tpu.dot_dimension_numbers<[1], [0], [0], [1], [0, 0, 1, 1], [], []>, transpose_lhs_hint = false} : vector<64x196xbf16>, vector<196x128xbf16>, vector<64x128xf32> -> vector<64x128xf32>
    %add3A_390 = vector.broadcast %get3A_4 : vector<1x128xf32> to vector<64x128xf32>
    %add3A_391 = arith.addf %dot_general3A_389, %add3A_390 : vector<64x128xf32>
    %add3A_392 = arith.addf %add3A_391, %dot_general3A_378 : vector<64x128xf32>
    %swap3A_393 = arith.constant 11 : index
    %swap3A_394 = arith.constant 0 : index
    %swap3A_395 = arith.constant 0 : index
    %swap3A_396 = vector.load %arg6[%swap3A_393, %swap3A_394, %swap3A_395] : memref<16x64x128xf32, #tpu.memory_space<vmem>>, vector<1x64x128xf32>
    %swap3A_397 = vector.shape_cast %swap3A_396 : vector<1x64x128xf32> to vector<64x128xf32>
    %swap3A_398 = vector.shape_cast %add3A_392 : vector<64x128xf32> to vector<1x64x128xf32>
    tpu.vector_store %arg6[%swap3A_393, %swap3A_394, %swap3A_395], %swap3A_398 {strides = array<i32>} : memref<16x64x128xf32, #tpu.memory_space<vmem>>, vector<1x64x128xf32>,
    %get3A_399 = arith.constant 12 : index
    %get3A_400 = arith.constant 192 : index
    %get3A_401 = vector.load %arg1[%get3A_399, %get3A_400] : memref<16x256xi32, #tpu.memory_space<vmem>>, vector<1x64xi32>
    %get3A_402 = vector.shape_cast %get3A_401 : vector<1x64xi32> to vector<64xi32>
    %reshape3A_403 = vector.shape_cast %get3A_402 : vector<64xi32> to vector<64x1xi32>
    %iota3A_404 = tpu.iota {dimensions = array<i32: 1>} : vector<64x256xi32>
    %eq3A_405 = vector.broadcast %reshape3A_403 : vector<64x1xi32> to vector<64x256xi32>
    %eq3A_406 = arith.cmpi eq, %eq3A_405, %iota3A_404 : vector<64x256xi32>
    %convert_element_type3A_407 = arith.extui %eq3A_406 : vector<64x256xi1> to vector<64x256xi32>
    %convert_element_type3A_408 = arith.sitofp %convert_element_type3A_407 : vector<64x256xi32> to vector<64x256xf32>
    %convert_element_type3A_409 = arith.truncf %convert_element_type3A_408 : vector<64x256xf32> to vector<64x256xbf16>
    %dot_general3A_410 = arith.constant dense<0.000000e+00> : vector<64x128xf32>
    %dot_general3A_411 = tpu.matmul %convert_element_type3A_409, %convert_element_type3A_8, %dot_general3A_410 {dimension_numbers = #tpu.dot_dimension_numbers<[1], [0], [0], [1], [0, 0, 1, 1], [], []>, transpose_lhs_hint = false} : vector<64x256xbf16>, vector<256x128xbf16>, vector<64x128xf32> -> vector<64x128xf32>
    %get3A_412 = arith.constant 12 : index
    %get3A_413 = arith.constant 0 : index
    %get3A_414 = arith.constant 0 : index
    %get3A_415 = vector.load %arg2[%get3A_412, %get3A_413, %get3A_414] : memref<16x256x196xf32, #tpu.memory_space<vmem>>, vector<1x256x196xf32>
    %get3A_416 = vector.shape_cast %get3A_415 : vector<1x256x196xf32> to vector<256x196xf32>
    %convert_element_type3A_417 = arith.truncf %get3A_416 : vector<256x196xf32> to vector<256x196xbf16>
    %dot_general3A_418 = arith.constant dense<0.000000e+00> : vector<64x196xf32>
    %dot_general3A_419 = tpu.matmul %convert_element_type3A_409, %convert_element_type3A_417, %dot_general3A_418 {dimension_numbers = #tpu.dot_dimension_numbers<[1], [0], [0], [1], [0, 0, 1, 1], [], []>, transpose_lhs_hint = false} : vector<64x256xbf16>, vector<256x196xbf16>, vector<64x196xf32> -> vector<64x196xf32>
    %convert_element_type3A_420 = arith.truncf %dot_general3A_419 : vector<64x196xf32> to vector<64x196xbf16>
    %dot_general3A_421 = arith.constant dense<0.000000e+00> : vector<64x128xf32>
    %dot_general3A_422 = tpu.matmul %convert_element_type3A_420, %convert_element_type3A, %dot_general3A_421 {dimension_numbers = #tpu.dot_dimension_numbers<[1], [0], [0], [1], [0, 0, 1, 1], [], []>, transpose_lhs_hint = false} : vector<64x196xbf16>, vector<196x128xbf16>, vector<64x128xf32> -> vector<64x128xf32>
    %add3A_423 = vector.broadcast %get3A_4 : vector<1x128xf32> to vector<64x128xf32>
    %add3A_424 = arith.addf %dot_general3A_422, %add3A_423 : vector<64x128xf32>
    %add3A_425 = arith.addf %add3A_424, %dot_general3A_411 : vector<64x128xf32>
    %swap3A_426 = arith.constant 12 : index
    %swap3A_427 = arith.constant 0 : index
    %swap3A_428 = arith.constant 0 : index
    %swap3A_429 = vector.load %arg6[%swap3A_426, %swap3A_427, %swap3A_428] : memref<16x64x128xf32, #tpu.memory_space<vmem>>, vector<1x64x128xf32>
    %swap3A_430 = vector.shape_cast %swap3A_429 : vector<1x64x128xf32> to vector<64x128xf32>
    %swap3A_431 = vector.shape_cast %add3A_425 : vector<64x128xf32> to vector<1x64x128xf32>
    tpu.vector_store %arg6[%swap3A_426, %swap3A_427, %swap3A_428], %swap3A_431 {strides = array<i32>} : memref<16x64x128xf32, #tpu.memory_space<vmem>>, vector<1x64x128xf32>,
    %get3A_432 = arith.constant 13 : index
    %get3A_433 = arith.constant 192 : index
    %get3A_434 = vector.load %arg1[%get3A_432, %get3A_433] : memref<16x256xi32, #tpu.memory_space<vmem>>, vector<1x64xi32>
    %get3A_435 = vector.shape_cast %get3A_434 : vector<1x64xi32> to vector<64xi32>
    %reshape3A_436 = vector.shape_cast %get3A_435 : vector<64xi32> to vector<64x1xi32>
    %iota3A_437 = tpu.iota {dimensions = array<i32: 1>} : vector<64x256xi32>
    %eq3A_438 = vector.broadcast %reshape3A_436 : vector<64x1xi32> to vector<64x256xi32>
    %eq3A_439 = arith.cmpi eq, %eq3A_438, %iota3A_437 : vector<64x256xi32>
    %convert_element_type3A_440 = arith.extui %eq3A_439 : vector<64x256xi1> to vector<64x256xi32>
    %convert_element_type3A_441 = arith.sitofp %convert_element_type3A_440 : vector<64x256xi32> to vector<64x256xf32>
    %convert_element_type3A_442 = arith.truncf %convert_element_type3A_441 : vector<64x256xf32> to vector<64x256xbf16>
    %dot_general3A_443 = arith.constant dense<0.000000e+00> : vector<64x128xf32>
    %dot_general3A_444 = tpu.matmul %convert_element_type3A_442, %convert_element_type3A_8, %dot_general3A_443 {dimension_numbers = #tpu.dot_dimension_numbers<[1], [0], [0], [1], [0, 0, 1, 1], [], []>, transpose_lhs_hint = false} : vector<64x256xbf16>, vector<256x128xbf16>, vector<64x128xf32> -> vector<64x128xf32>
    %get3A_445 = arith.constant 13 : index
    %get3A_446 = arith.constant 0 : index
    %get3A_447 = arith.constant 0 : index
    %get3A_448 = vector.load %arg2[%get3A_445, %get3A_446, %get3A_447] : memref<16x256x196xf32, #tpu.memory_space<vmem>>, vector<1x256x196xf32>
    %get3A_449 = vector.shape_cast %get3A_448 : vector<1x256x196xf32> to vector<256x196xf32>
    %convert_element_type3A_450 = arith.truncf %get3A_449 : vector<256x196xf32> to vector<256x196xbf16>
    %dot_general3A_451 = arith.constant dense<0.000000e+00> : vector<64x196xf32>
    %dot_general3A_452 = tpu.matmul %convert_element_type3A_442, %convert_element_type3A_450, %dot_general3A_451 {dimension_numbers = #tpu.dot_dimension_numbers<[1], [0], [0], [1], [0, 0, 1, 1], [], []>, transpose_lhs_hint = false} : vector<64x256xbf16>, vector<256x196xbf16>, vector<64x196xf32> -> vector<64x196xf32>
    %convert_element_type3A_453 = arith.truncf %dot_general3A_452 : vector<64x196xf32> to vector<64x196xbf16>
    %dot_general3A_454 = arith.constant dense<0.000000e+00> : vector<64x128xf32>
    %dot_general3A_455 = tpu.matmul %convert_element_type3A_453, %convert_element_type3A, %dot_general3A_454 {dimension_numbers = #tpu.dot_dimension_numbers<[1], [0], [0], [1], [0, 0, 1, 1], [], []>, transpose_lhs_hint = false} : vector<64x196xbf16>, vector<196x128xbf16>, vector<64x128xf32> -> vector<64x128xf32>
    %add3A_456 = vector.broadcast %get3A_4 : vector<1x128xf32> to vector<64x128xf32>
    %add3A_457 = arith.addf %dot_general3A_455, %add3A_456 : vector<64x128xf32>
    %add3A_458 = arith.addf %add3A_457, %dot_general3A_444 : vector<64x128xf32>
    %swap3A_459 = arith.constant 13 : index
    %swap3A_460 = arith.constant 0 : index
    %swap3A_461 = arith.constant 0 : index
    %swap3A_462 = vector.load %arg6[%swap3A_459, %swap3A_460, %swap3A_461] : memref<16x64x128xf32, #tpu.memory_space<vmem>>, vector<1x64x128xf32>
    %swap3A_463 = vector.shape_cast %swap3A_462 : vector<1x64x128xf32> to vector<64x128xf32>
    %swap3A_464 = vector.shape_cast %add3A_458 : vector<64x128xf32> to vector<1x64x128xf32>
    tpu.vector_store %arg6[%swap3A_459, %swap3A_460, %swap3A_461], %swap3A_464 {strides = array<i32>} : memref<16x64x128xf32, #tpu.memory_space<vmem>>, vector<1x64x128xf32>,
    %get3A_465 = arith.constant 14 : index
    %get3A_466 = arith.constant 192 : index
    %get3A_467 = vector.load %arg1[%get3A_465, %get3A_466] : memref<16x256xi32, #tpu.memory_space<vmem>>, vector<1x64xi32>
    %get3A_468 = vector.shape_cast %get3A_467 : vector<1x64xi32> to vector<64xi32>
    %reshape3A_469 = vector.shape_cast %get3A_468 : vector<64xi32> to vector<64x1xi32>
    %iota3A_470 = tpu.iota {dimensions = array<i32: 1>} : vector<64x256xi32>
    %eq3A_471 = vector.broadcast %reshape3A_469 : vector<64x1xi32> to vector<64x256xi32>
    %eq3A_472 = arith.cmpi eq, %eq3A_471, %iota3A_470 : vector<64x256xi32>
    %convert_element_type3A_473 = arith.extui %eq3A_472 : vector<64x256xi1> to vector<64x256xi32>
    %convert_element_type3A_474 = arith.sitofp %convert_element_type3A_473 : vector<64x256xi32> to vector<64x256xf32>
    %convert_element_type3A_475 = arith.truncf %convert_element_type3A_474 : vector<64x256xf32> to vector<64x256xbf16>
    %dot_general3A_476 = arith.constant dense<0.000000e+00> : vector<64x128xf32>
    %dot_general3A_477 = tpu.matmul %convert_element_type3A_475, %convert_element_type3A_8, %dot_general3A_476 {dimension_numbers = #tpu.dot_dimension_numbers<[1], [0], [0], [1], [0, 0, 1, 1], [], []>, transpose_lhs_hint = false} : vector<64x256xbf16>, vector<256x128xbf16>, vector<64x128xf32> -> vector<64x128xf32>
    %get3A_478 = arith.constant 14 : index
    %get3A_479 = arith.constant 0 : index
    %get3A_480 = arith.constant 0 : index
    %get3A_481 = vector.load %arg2[%get3A_478, %get3A_479, %get3A_480] : memref<16x256x196xf32, #tpu.memory_space<vmem>>, vector<1x256x196xf32>
    %get3A_482 = vector.shape_cast %get3A_481 : vector<1x256x196xf32> to vector<256x196xf32>
    %convert_element_type3A_483 = arith.truncf %get3A_482 : vector<256x196xf32> to vector<256x196xbf16>
    %dot_general3A_484 = arith.constant dense<0.000000e+00> : vector<64x196xf32>
    %dot_general3A_485 = tpu.matmul %convert_element_type3A_475, %convert_element_type3A_483, %dot_general3A_484 {dimension_numbers = #tpu.dot_dimension_numbers<[1], [0], [0], [1], [0, 0, 1, 1], [], []>, transpose_lhs_hint = false} : vector<64x256xbf16>, vector<256x196xbf16>, vector<64x196xf32> -> vector<64x196xf32>
    %convert_element_type3A_486 = arith.truncf %dot_general3A_485 : vector<64x196xf32> to vector<64x196xbf16>
    %dot_general3A_487 = arith.constant dense<0.000000e+00> : vector<64x128xf32>
    %dot_general3A_488 = tpu.matmul %convert_element_type3A_486, %convert_element_type3A, %dot_general3A_487 {dimension_numbers = #tpu.dot_dimension_numbers<[1], [0], [0], [1], [0, 0, 1, 1], [], []>, transpose_lhs_hint = false} : vector<64x196xbf16>, vector<196x128xbf16>, vector<64x128xf32> -> vector<64x128xf32>
    %add3A_489 = vector.broadcast %get3A_4 : vector<1x128xf32> to vector<64x128xf32>
    %add3A_490 = arith.addf %dot_general3A_488, %add3A_489 : vector<64x128xf32>
    %add3A_491 = arith.addf %add3A_490, %dot_general3A_477 : vector<64x128xf32>
    %swap3A_492 = arith.constant 14 : index
    %swap3A_493 = arith.constant 0 : index
    %swap3A_494 = arith.constant 0 : index
    %swap3A_495 = vector.load %arg6[%swap3A_492, %swap3A_493, %swap3A_494] : memref<16x64x128xf32, #tpu.memory_space<vmem>>, vector<1x64x128xf32>
    %swap3A_496 = vector.shape_cast %swap3A_495 : vector<1x64x128xf32> to vector<64x128xf32>
    %swap3A_497 = vector.shape_cast %add3A_491 : vector<64x128xf32> to vector<1x64x128xf32>
    tpu.vector_store %arg6[%swap3A_492, %swap3A_493, %swap3A_494], %swap3A_497 {strides = array<i32>} : memref<16x64x128xf32, #tpu.memory_space<vmem>>, vector<1x64x128xf32>,
    %get3A_498 = arith.constant 15 : index
    %get3A_499 = arith.constant 192 : index
    %get3A_500 = vector.load %arg1[%get3A_498, %get3A_499] : memref<16x256xi32, #tpu.memory_space<vmem>>, vector<1x64xi32>
    %get3A_501 = vector.shape_cast %get3A_500 : vector<1x64xi32> to vector<64xi32>
    %reshape3A_502 = vector.shape_cast %get3A_501 : vector<64xi32> to vector<64x1xi32>
    %iota3A_503 = tpu.iota {dimensions = array<i32: 1>} : vector<64x256xi32>
    %eq3A_504 = vector.broadcast %reshape3A_502 : vector<64x1xi32> to vector<64x256xi32>
    %eq3A_505 = arith.cmpi eq, %eq3A_504, %iota3A_503 : vector<64x256xi32>
    %convert_element_type3A_506 = arith.extui %eq3A_505 : vector<64x256xi1> to vector<64x256xi32>
    %convert_element_type3A_507 = arith.sitofp %convert_element_type3A_506 : vector<64x256xi32> to vector<64x256xf32>
    %convert_element_type3A_508 = arith.truncf %convert_element_type3A_507 : vector<64x256xf32> to vector<64x256xbf16>
    %dot_general3A_509 = arith.constant dense<0.000000e+00> : vector<64x128xf32>
    %dot_general3A_510 = tpu.matmul %convert_element_type3A_508, %convert_element_type3A_8, %dot_general3A_509 {dimension_numbers = #tpu.dot_dimension_numbers<[1], [0], [0], [1], [0, 0, 1, 1], [], []>, transpose_lhs_hint = false} : vector<64x256xbf16>, vector<256x128xbf16>, vector<64x128xf32> -> vector<64x128xf32>
    %get3A_511 = arith.constant 15 : index
    %get3A_512 = arith.constant 0 : index
    %get3A_513 = arith.constant 0 : index
    %get3A_514 = vector.load %arg2[%get3A_511, %get3A_512, %get3A_513] : memref<16x256x196xf32, #tpu.memory_space<vmem>>, vector<1x256x196xf32>
    %get3A_515 = vector.shape_cast %get3A_514 : vector<1x256x196xf32> to vector<256x196xf32>
    %convert_element_type3A_516 = arith.truncf %get3A_515 : vector<256x196xf32> to vector<256x196xbf16>
    %dot_general3A_517 = arith.constant dense<0.000000e+00> : vector<64x196xf32>
    %dot_general3A_518 = tpu.matmul %convert_element_type3A_508, %convert_element_type3A_516, %dot_general3A_517 {dimension_numbers = #tpu.dot_dimension_numbers<[1], [0], [0], [1], [0, 0, 1, 1], [], []>, transpose_lhs_hint = false} : vector<64x256xbf16>, vector<256x196xbf16>, vector<64x196xf32> -> vector<64x196xf32>
    %convert_element_type3A_519 = arith.truncf %dot_general3A_518 : vector<64x196xf32> to vector<64x196xbf16>
    %dot_general3A_520 = arith.constant dense<0.000000e+00> : vector<64x128xf32>
    %dot_general3A_521 = tpu.matmul %convert_element_type3A_519, %convert_element_type3A, %dot_general3A_520 {dimension_numbers = #tpu.dot_dimension_numbers<[1], [0], [0], [1], [0, 0, 1, 1], [], []>, transpose_lhs_hint = false} : vector<64x196xbf16>, vector<196x128xbf16>, vector<64x128xf32> -> vector<64x128xf32>
    %add3A_522 = vector.broadcast %get3A_4 : vector<1x128xf32> to vector<64x128xf32>
    %add3A_523 = arith.addf %dot_general3A_521, %add3A_522 : vector<64x128xf32>
    %add3A_524 = arith.addf %add3A_523, %dot_general3A_510 : vector<64x128xf32>
    %swap3A_525 = arith.constant 15 : index
    %swap3A_526 = arith.constant 0 : index
    %swap3A_527 = arith.constant 0 : index
    %swap3A_528 = vector.load %arg6[%swap3A_525, %swap3A_526, %swap3A_527] : memref<16x64x128xf32, #tpu.memory_space<vmem>>, vector<1x64x128xf32>
    %swap3A_529 = vector.shape_cast %swap3A_528 : vector<1x64x128xf32> to vector<64x128xf32>
    %swap3A_530 = vector.shape_cast %add3A_524 : vector<64x128xf32> to vector<1x64x128xf32>
    tpu.vector_store %arg6[%swap3A_525, %swap3A_526, %swap3A_527], %swap3A_530 {strides = array<i32>} : memref<16x64x128xf32, #tpu.memory_space<vmem>>, vector<1x64x128xf32>,
    return
  }
  func.func @transform_0(%arg0: i32) -> (i32, i32) {
    %c0_i32 = arith.constant 0 : i32
    %c0_i32_0 = arith.constant 0 : i32
    return %arg0, %c0_i32 : i32, i32
  }
  func.func @transform_1(%arg0: i32) -> (i32, i32, i32) {
    %c0_i32 = arith.constant 0 : i32
    %c0_i32_0 = arith.constant 0 : i32
    %c0_i32_1 = arith.constant 0 : i32
    return %arg0, %c0_i32, %c0_i32_0 : i32, i32, i32
  }
  func.func @transform_2(%arg0: i32) -> (i32, i32) {
    %c0_i32 = arith.constant 0 : i32
    %c0_i32_0 = arith.constant 0 : i32
    %c0_i32_1 = arith.constant 0 : i32
    return %c0_i32, %c0_i32_0 : i32, i32
  }
  func.func @transform_3(%arg0: i32) -> (i32, i32) {
    %c0_i32 = arith.constant 0 : i32
    %c0_i32_0 = arith.constant 0 : i32
    %c0_i32_1 = arith.constant 0 : i32
    return %c0_i32, %c0_i32_0 : i32, i32
  }
  func.func @transform_4(%arg0: i32) -> (i32, i32) {
    %c0_i32 = arith.constant 0 : i32
    %c0_i32_0 = arith.constant 0 : i32
    %c0_i32_1 = arith.constant 0 : i32
    return %c0_i32, %c0_i32_0 : i32, i32
  }
  func.func @transform_5(%arg0: i32) -> (i32, i32, i32) {
    %c0_i32 = arith.constant 0 : i32
    %c0_i32_0 = arith.constant 0 : i32
    %c0_i32_1 = arith.constant 0 : i32
    return %arg0, %c0_i32, %c0_i32_0 : i32, i32, i32
  }
}

</mosaic_0001>

<sc_bundles>
// kernel: kernel.5.cloned.1.call-start
scs
__scs_entry_jumppad:
0x0: {  	(pc) =	sbr.rel $0x88, $3  }
0x1: {  	(tag) =	ssettag $0x0;
	lr =	simm.s32 $0x1  }
0x2: {  	[smem:$0x3F9B] =	sst lr;
	_ =	strace $0xD0000000  }
0x3: {  	_ = 	snop  }
0x4: {  	_ = 	snop  }
0x5: {  	_ = 	snop  }
0x6: {  	_ = 	snop  }
0x7: {  	_ = 	snop  }
__scs_overlays_trampoline_lowered:
0x8: {  	[smem:$0x3FAA] =	sst s0  }
0x9: {  	[smem:$0x3FAB] =	sst s1  }
0xa: {  	[smem:$0x3FAC] =	sst s2  }
0xb: {  	[smem:$0x3FAD] =	sst s3  }
0xc: {  	[smem:$0x3FAE] =	sst s4  }
0xd: {  	[smem:$0x3FAF] =	sst s5  }
0xe: {  	[smem:$0x3FB0] =	sst s6  }
0xf: {  	[smem:$0x3FB1] =	sst s7  }
0x10: {  	[smem:$0x3FB2] =	sst s8  }
0x11: {  	[smem:$0x3FB3] =	sst s9;
	s0 =	simm.s32 @!p0 $0x0  }
0x12: {  	s1 =	sld [smem:$0x3F99];
	s0 =	simm.s32 @p0 $0x1  }
0x13: {  	[smem:$0x3FB4] =	sst s0;
	s0 =	simm.s32 @!p1 $0x0  }
0x14: {  	s2 =	sld [smem:$0x3F98];
	s0 =	simm.s32 @p1 $0x1  }
0x15: {  	[smem:$0x3FB5] =	sst s0;
	s0 =	simm.s32 @!p2 $0x0  }
0x16: {  	s3 =	sld [smem:$0x3FDB];
	s0 =	simm.s32 @p2 $0x1  }
0x17: {  	s4 =	simm.s32 $0x1BF5;
	[smem:$0x3FB7] =	sst s0  }
0x18: {  	s0 =	sld [smem:$0x3F9A];
	_ =	swait.ge [sflag:s4], $0x0  }
0x19: {  	s7 =	sld [smem:$0x3F9B]  }
0x1a: {  	s8 =	sadd.s32 $0xFFFFE003, lr  }
0x1b: {  	s9 =	sadd.s32 $0xFFFFFEF7, lr;
	s5 =	simm.s32 $0xFFFFFFFF;
	p2 =	slt.u32 s8, $0xFFFFF086  }
0x1c: {  	p1 =	slt.u32 s9, $0xF7A;
	s5 =	simm.s32 @!p2 $0x0  }
0x1d: {  	s5 =	simm.s32 @p1 $0x1;
	p0 =	seq.s32 s7, s2  }
0x1e: {  	s7 =	smul.u32 @!p0 $0xF7A, s2;
	p2 =	seq.s32 @!p0 s5, $0x0  }
0x1f: {  	s9 =	smul.u32 $0xF7A, s1;
	s8 =	simm.s32 @!p0 $0x1BF5;
	p2 =	por !p2, p0  }
0x20: {  	[sflag:s8] =	ssyncset.s32 @!p0 $0xFFFFF086;
	s6 =	sadd.s32 @!p0 s3, s7;
	s7 =	simm.s32 @!p0 $0x108  }
0x21: {  	s3 =	sadd.s32 s3, s9;
	s6 =	sadd.s32 @!p0 $0x88, s6;
	s7 =	simm.s32 @p2 $0x1082  }
0x22: {  	[simem:s7], [sflag:s8] =	dma.local @!p0 [hbm:s6], $0xF7A  }
0x23: {  	s9 =	sor.u32 $0xD0000000, s2;
	s6 =	simm.s32 $0x108;
	_ =	swait.ge @!p0 [sflag:s8], $0x0  }
0x24: {  	s3 =	sadd.s32 $0x88, s3;
	s6 =	simm.s32 @!p1 $0x1082;
	[sflag:s4] =	ssyncset.s32 $0xFFFFF086  }
0x25: {  	[simem:s6], [sflag:s4] =	dma.local [hbm:s3], $0xF7A  }
0x26: {  	[smem:$0x3F9B] =	sst s1;
	(tag) =	ssettag s2;
	_ =	strace s9  }
0x27: {  	s1 =	sld [smem:$0x3FAB]  }
0x28: {  	s2 =	sld [smem:$0x3FAC]  }
0x29: {  	s4 =	sld [smem:$0x3FAE]  }
0x2a: {  	p0 =	seq.s32 s5, $0x0;
	s5 =	sld [smem:$0x3FAF]  }
0x2b: {  	s6 =	sld [smem:$0x3FB0]  }
0x2c: {  	s7 =	sld [smem:$0x3FB1]  }
0x2d: {  	s3 =	simm.s32 $0x108;
	s8 =	sld [smem:$0x3FB2]  }
0x2e: {  	s3 =	simm.s32 @!p0 $0x1082;
	s9 =	sld [smem:$0x3FB3]  }
0x2f: {  	lr =	sadd.s32 s0, s3;
	s0 =	sld [smem:$0x3FAA]  }
0x30: {  	s3 =	sld [smem:$0x3FAD]  }
0x31: {  	[smem:$0x3FB6] =	sst s10  }
0x32: {  	s10 =	sld [smem:$0x3FB4];
	_ =	sdelay $0x3  }
0x33: {  	p0 =	seq.s32 s10, $0x1;
	s10 =	sld [smem:$0x3FB6];
	_ =	sdelay $0x3  }
0x34: {  	[smem:$0x3FB6] =	sst s10  }
0x35: {  	s10 =	sld [smem:$0x3FB5];
	_ =	sdelay $0x3  }
0x36: {  	p1 =	seq.s32 s10, $0x1;
	s10 =	sld [smem:$0x3FB6];
	_ =	sdelay $0x3  }
0x37: {  	[smem:$0x3FB6] =	sst s10  }
0x38: {  	s10 =	sld [smem:$0x3FB7]  }
0x39: {  	_ = 	snop;
	(pc) =	sbr.ind lr, $3  }
0x3a: {  	_ = 	snop  }
0x3b: {  	_ = 	snop  }
0x3c: {  	p2 =	seq.s32 s10, $0x1;
	s10 =	sld [smem:$0x3FB6]  }
0x3d: {  	_ =	shalt  }
0x3e: {  	_ =	shalt  }
0x3f: {  	_ =	shalt  }
0x40: {  	_ =	shalt  }
0x41: {  	_ =	shalt  }
0x42: {  	_ =	shalt  }
0x43: {  	_ =	shalt  }
0x44: {  	_ =	shalt  }
0x45: {  	_ =	shalt  }
0x46: {  	_ =	shalt  }
0x47: {  	_ =	shalt  }
0x48: {  	_ =	shalt  }
0x49: {  	_ =	shalt  }
0x4a: {  	_ =	shalt  }
0x4b: {  	_ =	shalt  }
0x4c: {  	_ =	shalt  }
0x4d: {  	_ =	shalt  }
0x4e: {  	_ =	shalt  }
0x4f: {  	_ =	shalt  }
0x50: {  	_ =	shalt  }
0x51: {  	_ =	shalt  }
0x52: {  	_ =	shalt  }
0x53: {  	_ =	shalt  }
0x54: {  	_ =	shalt  }
0x55: {  	_ =	shalt  }
0x56: {  	_ =	shalt  }
0x57: {  	_ =	shalt  }
0x58: {  	_ =	shalt  }
0x59: {  	_ =	shalt  }
0x5a: {  	_ =	shalt  }
0x5b: {  	_ =	shalt  }
0x5c: {  	_ =	shalt  }
0x5d: {  	_ =	shalt  }
0x5e: {  	_ =	shalt  }
0x5f: {  	_ =	shalt  }
0x60: {  	_ =	shalt  }
0x61: {  	_ =	shalt  }
0x62: {  	_ =	shalt  }
0x63: {  	_ =	shalt  }
0x64: {  	_ =	shalt  }
0x65: {  	_ =	shalt  }
0x66: {  	_ =	shalt  }
0x67: {  	_ =	shalt  }
0x68: {  	_ =	shalt  }
0x69: {  	_ =	shalt  }
0x6a: {  	_ =	shalt  }
0x6b: {  	_ =	shalt  }
0x6c: {  	_ =	shalt  }
0x6d: {  	_ =	shalt  }
0x6e: {  	_ =	shalt  }
0x6f: {  	_ =	shalt  }
0x70: {  	_ =	shalt  }
0x71: {  	_ =	shalt  }
0x72: {  	_ =	shalt  }
0x73: {  	_ =	shalt  }
0x74: {  	_ =	shalt  }
0x75: {  	_ =	shalt  }
0x76: {  	_ =	shalt  }
0x77: {  	_ =	shalt  }
0x78: {  	_ =	shalt  }
0x79: {  	_ =	shalt  }
0x7a: {  	_ =	shalt  }
0x7b: {  	_ =	shalt  }
0x7c: {  	_ =	shalt  }
0x7d: {  	_ =	shalt  }
0x7e: {  	_ =	shalt  }
0x7f: {  	_ =	shalt  }
0x80: {  	_ =	shalt  }
0x81: {  	_ =	shalt  }
0x82: {  	_ =	shalt  }
0x83: {  	_ =	shalt  }
0x84: {  	_ =	shalt  }
0x85: {  	_ =	shalt  }
0x86: {  	_ =	shalt  }
0x87: {  	_ =	shalt  }
.Lfunc_end0:
.L_simem_size_0:
called_computation_lowered:
.L_overlay_start_0:
0x88: {  	s2 =	sld [smem:$0x3FD9]  }
0x89: {  	s3 =	sld [smem:$0x3FFE];
	_ =	sdelay $0x1  }
0x8a: {  	s1 =	srdreg.scid  }
0x8b: {  	s0 =	sand.u32 $0x1, s1  }
0x8c: {  	s14 =	sshll.u32 s0, $0xA;
	s2 =	sadd.s32 s3, s2  }
0x8d: {  	s2 =	sadd.s32 s2, s14  }
0x8e: {  	[smem:$0x3FC2] =	sst s2  }
0x8f: {  	_ = 	snop  }
0x90: {  	s2 =	sld [smem:$0x3FD0];
	_ =	sdelay $0x2  }
0x91: {  	s4 =	simm.s32 $0xA;
	s5 =	simm.s32 $0x10;
	s15 =	sld [smem:$0x3FC6]  }
0x92: {  	[smem:s5], [sflag:s4] =	dma.local [hbm:s2], $0x1  }
0x93: {  	_ =	swait.eq [sflag:s4], $0x1  }
0x94: {  	[sflag:s4] =	ssyncset.done $0x0  }
0x95: {  	s16 =	sld [smem:$0x11];
	[sflag:s4] =	ssyncadd.s32 $0xFFFFFFFF  }
0x96: {  	s17 =	sld [smem:$0x12];
	(tm) =	ssettm $0x1  }
0x97: {  	s18 =	sld [smem:$0x3FFB];
	_ =	sdelay $0x3  }
0x98: {  	_ =	strace s18  }
0x99: {  	s5 =	sld [smem:$0x3FFC];
	_ =	sdelay $0x3  }
0x9a: {  	_ =	strace s5  }
0x9b: {  	s5 =	sld [smem:$0x3FFD];
	_ =	sdelay $0x3  }
0x9c: {  	_ =	strace s5  }
0x9d: {  	_ =	strace $0x8FFFFFFF  }
0x9e: {  	s19 =	sld [smem:$0x3FDB];
	_ =	sdelay $0x1  }
0x9f: {  	s6 =	simm.s32 $_scs_section_size  }
0xa0: {  	s7 =	simm.s32 $_size__tile_overlayer_lowered;
	s8 =	simm.s32 $_tile_overlayer_lowered  }
0xa1: {  	s22 =	simm.s32 $0x1BFF;
	s21 =	sshll.u32 s8, $0x1;
	s5 =	sadd.s32 s6, s19  }
0xa2: {  	s9 =	simm.s32 $0x0;
	s20 =	sshll.u32 s7, $0x1;
	s7 =	sadd.s32 s21, s5  }
0xa3: {  	[timem:s9], [sflag:s22] =	dma.local [hbm:s7], s20  }
0xa4: {  	_ =	swait.ge [sflag:s22], s20  }
0xa5: {  	s6 =	ssub.s32 $0x0, s20;
	[sflag:s22] =	ssyncset.done $0x0  }
0xa6: {  	[sflag:s22] =	ssyncadd.s32 s6;
	_ =	sdelay $0x1  }
0xa7: {  	s23 =	simm.s32 $0x1B8B  }
0xa8: {  	_ =	swait.ge [sflag:s23], $0x1  }
0xa9: {  	[sflag:s23] =	ssyncset.done $0x0  }
0xaa: {  	s25 =	simm.s32 $0x1B8E;
	s24 =	sld [smem:$0x3FFE];
	[sflag:s23] =	ssyncadd.s32 $0xFFFFFFFF  }
0xab: {  	s26 =	simm.s32 $execute0_lowered;
	[smem:$0x3FD2] =	sst s25  }
0xac: {  	s7 =	sshll.u32 s26, $0x1;
	_ =	strace $0x80000046;
	[dreg:$0x1] =	wrdreg $0xFFFFFFFF  }
0xad: {  	s28 =	simm.s32 $_size_execute0_lowered;
	s5 =	sadd.s32 s5, s7;
	[dreg:$0x0] =	wrdreg $0x0  }
0xae: {  	s7 =	sshll.u32 s28, $0x1;
	[dreg:$0x2] =	wrdreg s5  }
0xaf: {  	[dreg:$0x3] =	wrdreg s7  }
0xb0: {  	[dreg:$0x4] =	wrdreg $0xC0  }
0xb1: {  	_ =	task [dreg:s9], $0x5FFFF  }
0xb2: {  	[dreg:$0x1] =	wrdreg $0xFFFFFFFF  }
0xb3: {  	[dreg:$0x0] =	wrdreg $0x60  }
0xb4: {  	[dreg:$0x2] =	wrdreg s24  }
0xb5: {  	[dreg:$0x3] =	wrdreg s15  }
0xb6: {  	[dreg:$0x4] =	wrdreg s16  }
0xb7: {  	[dreg:$0x5] =	wrdreg s17  }
0xb8: {  	[dreg:$0x6] =	wrdreg $0x9  }
0xb9: {  	_ =	task.clear_ibuf [dreg:s9], $0x7FFFF;
	_ =	strace $0x90000046  }
0xba: {  	s29 =	simm.s32 $0x9;
	_ =	strace $0x80000048  }
0xbb: {  	_ =	swait.ge [sflag:s29], $0x1  }
0xbc: {  	[sflag:s29] =	ssyncadd.s32 $0xFFFFFFFF  }
0xbd: {  	_ =	strace $0x90000048  }
0xbe: {  	_ =	sfence  }
0xbf: {  	s30 =	sld [smem:$0x0];
	_ =	sdelay $0x2  }
0xc0: {  	s31 =	sshll.u32 s1, $0xD;
	s1 =	sshrl.u32 s1, $0x2  }
0xc1: {  	s3 =	sand.u32 $0x4000, s31;
	s1 =	sadd.s32 s1, s30  }
0xc2: {  	s0 =	sor.u32 s3, s0;
	s1 =	sshll.u32 s1, $0x11  }
0xc3: {  	s0 =	sor.u32 s1, s0  }
0xc4: {  	s0 =	sadd.s32 $0x8F2B, s0  }
0xc5: {  	[sflag:s0] =	ssyncadd.remote.s32 $0x1  }
0xc6: {  	_ =	sfence.sel $0xFFFF  }
0xc7: {  	[dreg:$0x0] =	wrdreg $0xFFFFFFFF;
	(pc) =	sbr.abs _section_cstart, $3  }
0xc8: {  	[dreg:$0x1] =	wrdreg $0xFFFFFFFF  }
0xc9: {  	_ =	task.clear_ibuf [dreg:s9], $0x2FFFF;
	_ =	strace $0x9FFFFFFF  }
0xca: {  	(tm) =	ssettm $0x7FFFFFFF  }
0xcb: {  	_ =	shalt  }
tec
execute0_lowered:
.L_overlay_start_1:
0x0: {  	(tag) =	ssettag $0x1  }
0x1: {  	s23 =	rddreg [dreg:$0x0]  }
0x2: {  	s2 =	srdreg.scid;
	s0 =	stileid.u32  }
0x3: {  	s1 =	rddreg [dreg:$0x1];
	s2 =	sand.u32 $0x1, s2;
	s3 =	sshll.u32 s0, $0x1  }
0x4: {  	s22 =	rddreg [dreg:$0x2];
	s24 =	sor.u32 s2, s3  }
0x5: {  	s26 =	rddreg [dreg:$0x3];
	s3 =	simm.s32 $0x0;
	s21 =	smul.u32 $0xC00, s24  }
0x6: {  	[smem:$0x7FF] =	sst s3  }
0x7: {  	s8 =	smul.u32 $0xC000, s24;
	_ =	strace $0x80000047;
	s4 =	sor.u32 $0x100, s21  }
0x8: {  	s5 =	sor.u32 $0x200, s21;
	s6 =	sor.u32 $0x300, s21;
	s7 =	sshrl.u32 s21, $0x3  }
0x9: {  	s9 =	sadd.s32 $0x400, s21;
	s10 =	sadd.s32 $0x500, s21;
	s14 =	sadd.s32 s22, s8  }
0xa: {  	s7 =	sadd.s32 s23, s7;
	s15 =	sshrl.u32 s4, $0x3;
	[dreg:$0x6] =	wrdreg s14  }
0xb: {  	s4 =	sshll.u32 s4, $0x4;
	[dreg:$0x5] =	wrdreg s7;
	s16 =	sadd.s32 s23, s15  }
0xc: {  	s17 =	sshrl.u32 s5, $0x3;
	s4 =	sadd.s32 s22, s4;
	[dreg:$0x7] =	wrdreg s16  }
0xd: {  	s5 =	sshll.u32 s5, $0x4;
	s18 =	sadd.s32 s23, s17;
	[dreg:$0x8] =	wrdreg s4  }
0xe: {  	s20 =	sshrl.u32 s6, $0x3;
	s19 =	sadd.s32 s22, s5;
	[dreg:$0x9] =	wrdreg s18  }
0xf: {  	s0 =	sshll.u32 s6, $0x4;
	s25 =	sadd.s32 s23, s20;
	[dreg:$0xa] =	wrdreg s19  }
0x10: {  	s11 =	sshll.u32 s9, $0x4;
	s6 =	sadd.s32 s22, s0;
	[dreg:$0xb] =	wrdreg s25  }
0x11: {  	s13 =	sshrl.u32 s10, $0x3;
	s12 =	sadd.s32 s22, s11;
	[dreg:$0xc] =	wrdreg s6  }
0x12: {  	s14 =	sadd.s32 s23, s13;
	[dreg:$0xe] =	wrdreg s12  }
0x13: {  	s7 =	sshrl.u32 s9, $0x3;
	s15 =	sshll.u32 s10, $0x4;
	[dreg:$0xf] =	wrdreg s14  }
0x14: {  	s8 =	sadd.s32 s23, s7;
	s12 =	sadd.s32 $0x600, s21;
	s17 =	rddreg [dreg:$0x5]  }
0x15: {  	s4 =	sadd.s32 s22, s15;
	[dreg:$0xd] =	wrdreg s8;
	s16 =	sshrl.u32 s12, $0x3  }
0x16: {  	[tilespmem:s3], [sflag:$0x4] =	stream.linear.gather [hbm4b:s17+s3], $0x100, $0x38;
	[tilespmem:$0x10200] =	vst v63  }
0x17: {  	[dreg:$0x10] =	wrdreg s4;
	s18 =	sadd.s32 s23, s16  }
0x18: {  	s4 =	simm.s32 $0x4;
	[dreg:$0x11] =	wrdreg s18  }
0x19: {  	_ =	swait.ge [sflag:s4], $0x100  }
0x1a: {  	s5 =	sadd.s32 $0x4000, s23;
	s6 =	simm.s32 $0x100;
	[sflag:s4] =	ssyncset.done $0x0  }
0x1b: {  	s7 =	simm.s32 $0x200;
	s8 =	simm.s32 $0x1;
	[sflag:s4] =	ssyncadd.s32 $0xFFFFFF00  }
0x1c: {  	[tilespmem:s7], [sflag:$0x1] =	stream.indirect.gather [hbm4b:s5+s6], $0x80, s3, s6, $0xb8;
	[tilespmem:$0x10200] =	vst v63  }
0x1d: {  	_ =	swait.ge [sflag:s8], $0x8000  }
0x1e: {  	[sflag:s8] =	ssyncset.done $0x0  }
0x1f: {  	s19 =	rddreg [dreg:$0x6];
	[sflag:s8] =	ssyncadd.s32 $0xFFFF8000  }
0x20: {  	[hbm4b:s19+s3] =	stream.linear.scatter [tilespmem:s7], [sflag:$0x2], $0x8000, $0x38;
	[tilespmem:$0x10200] =	vst v63  }
0x21: {  	s20 =	rddreg [dreg:$0x7]  }
0x22: {  	[tilespmem:s6], [sflag:$0x4] =	stream.linear.gather [hbm4b:s20+s3], $0x100, $0x38;
	[tilespmem:$0x10200] =	vst v63  }
0x23: {  	_ =	swait.ge [sflag:s4], $0x100  }
0x24: {  	[sflag:s4] =	ssyncset.done $0x0  }
0x25: {  	s9 =	simm.s32 $0x8200;
	[sflag:s4] =	ssyncadd.s32 $0xFFFFFF00  }
0x26: {  	[tilespmem:s9], [sflag:$0x1] =	stream.indirect.gather [hbm4b:s5+s6], $0x80, s6, s6, $0xb8;
	[tilespmem:$0x10200] =	vst v63  }
0x27: {  	_ =	swait.ge [sflag:s8], $0x8000  }
0x28: {  	[sflag:s8] =	ssyncset.done $0x0  }
0x29: {  	s10 =	simm.s32 $0x2;
	s11 =	rddreg [dreg:$0x8];
	[sflag:s8] =	ssyncadd.s32 $0xFFFF8000  }
0x2a: {  	[hbm4b:s11+s3] =	stream.linear.scatter [tilespmem:s9], [sflag:$0x3], $0x8000, $0x38;
	[tilespmem:$0x10200] =	vst v63  }
0x2b: {  	_ =	swait.ge [sflag:s10], $0x8000  }
0x2c: {  	[sflag:s10] =	ssyncset.done $0x0  }
0x2d: {  	s25 =	rddreg [dreg:$0x9];
	[sflag:s10] =	ssyncadd.s32 $0xFFFF8000  }
0x2e: {  	[tilespmem:s3], [sflag:$0x4] =	stream.linear.gather [hbm4b:s25+s3], $0x100, $0x38;
	[tilespmem:$0x10200] =	vst v63  }
0x2f: {  	_ =	swait.ge [sflag:s4], $0x100  }
0x30: {  	[sflag:s4] =	ssyncset.done $0x0  }
0x31: {  	[sflag:s4] =	ssyncadd.s32 $0xFFFFFF00  }
0x32: {  	[tilespmem:s7], [sflag:$0x1] =	stream.indirect.gather [hbm4b:s5+s6], $0x80, s3, s6, $0xb8;
	[tilespmem:$0x10200] =	vst v63  }
0x33: {  	_ =	swait.ge [sflag:s8], $0x8000  }
0x34: {  	[sflag:s8] =	ssyncset.done $0x0  }
0x35: {  	s11 =	simm.s32 $0x3;
	s13 =	rddreg [dreg:$0xa];
	[sflag:s8] =	ssyncadd.s32 $0xFFFF8000  }
0x36: {  	[hbm4b:s13+s3] =	stream.linear.scatter [tilespmem:s7], [sflag:$0x2], $0x8000, $0x38;
	[tilespmem:$0x10200] =	vst v63  }
0x37: {  	_ =	swait.ge [sflag:s11], $0x8000  }
0x38: {  	[sflag:s11] =	ssyncset.done $0x0  }
0x39: {  	s0 =	rddreg [dreg:$0xb];
	[sflag:s11] =	ssyncadd.s32 $0xFFFF8000  }
0x3a: {  	[tilespmem:s6], [sflag:$0x4] =	stream.linear.gather [hbm4b:s0+s3], $0x100, $0x38;
	[tilespmem:$0x10200] =	vst v63  }
0x3b: {  	_ =	swait.ge [sflag:s4], $0x100  }
0x3c: {  	[sflag:s4] =	ssyncset.done $0x0  }
0x3d: {  	[sflag:s4] =	ssyncadd.s32 $0xFFFFFF00  }
0x3e: {  	[tilespmem:s9], [sflag:$0x1] =	stream.indirect.gather [hbm4b:s5+s6], $0x80, s6, s6, $0xb8;
	[tilespmem:$0x10200] =	vst v63  }
0x3f: {  	_ =	swait.ge [sflag:s8], $0x8000  }
0x40: {  	[sflag:s8] =	ssyncset.done $0x0  }
0x41: {  	s14 =	rddreg [dreg:$0xc];
	[sflag:s8] =	ssyncadd.s32 $0xFFFF8000  }
0x42: {  	[hbm4b:s14+s3] =	stream.linear.scatter [tilespmem:s9], [sflag:$0x3], $0x8000, $0x38;
	[tilespmem:$0x10200] =	vst v63  }
0x43: {  	_ =	swait.ge [sflag:s10], $0x8000  }
0x44: {  	[sflag:s10] =	ssyncset.done $0x0  }
0x45: {  	s15 =	rddreg [dreg:$0xd];
	[sflag:s10] =	ssyncadd.s32 $0xFFFF8000  }
0x46: {  	[tilespmem:s3], [sflag:$0x4] =	stream.linear.gather [hbm4b:s15+s3], $0x100, $0x38;
	[tilespmem:$0x10200] =	vst v63  }
0x47: {  	_ =	swait.ge [sflag:s4], $0x100  }
0x48: {  	[sflag:s4] =	ssyncset.done $0x0  }
0x49: {  	[sflag:s4] =	ssyncadd.s32 $0xFFFFFF00  }
0x4a: {  	[tilespmem:s7], [sflag:$0x1] =	stream.indirect.gather [hbm4b:s5+s6], $0x80, s3, s6, $0xb8;
	[tilespmem:$0x10200] =	vst v63  }
0x4b: {  	_ =	swait.ge [sflag:s8], $0x8000  }
0x4c: {  	[sflag:s8] =	ssyncset.done $0x0  }
0x4d: {  	s16 =	rddreg [dreg:$0xe];
	[sflag:s8] =	ssyncadd.s32 $0xFFFF8000  }
0x4e: {  	[hbm4b:s16+s3] =	stream.linear.scatter [tilespmem:s7], [sflag:$0x2], $0x8000, $0x38;
	[tilespmem:$0x10200] =	vst v63  }
0x4f: {  	_ =	swait.ge [sflag:s11], $0x8000  }
0x50: {  	[sflag:s11] =	ssyncset.done $0x0  }
0x51: {  	s17 =	rddreg [dreg:$0xf];
	[sflag:s11] =	ssyncadd.s32 $0xFFFF8000  }
0x52: {  	[tilespmem:s6], [sflag:$0x4] =	stream.linear.gather [hbm4b:s17+s3], $0x100, $0x38;
	[tilespmem:$0x10200] =	vst v63  }
0x53: {  	_ =	swait.ge [sflag:s4], $0x100  }
0x54: {  	[sflag:s4] =	ssyncset.done $0x0  }
0x55: {  	[sflag:s4] =	ssyncadd.s32 $0xFFFFFF00  }
0x56: {  	[tilespmem:s9], [sflag:$0x1] =	stream.indirect.gather [hbm4b:s5+s6], $0x80, s6, s6, $0xb8;
	[tilespmem:$0x10200] =	vst v63  }
0x57: {  	_ =	swait.ge [sflag:s8], $0x8000  }
0x58: {  	[sflag:s8] =	ssyncset.done $0x0  }
0x59: {  	s18 =	rddreg [dreg:$0x10];
	[sflag:s8] =	ssyncadd.s32 $0xFFFF8000  }
0x5a: {  	[hbm4b:s18+s3] =	stream.linear.scatter [tilespmem:s9], [sflag:$0x3], $0x8000, $0x38;
	[tilespmem:$0x10200] =	vst v63  }
0x5b: {  	_ =	swait.ge [sflag:s10], $0x8000  }
0x5c: {  	[sflag:s10] =	ssyncset.done $0x0  }
0x5d: {  	s19 =	rddreg [dreg:$0x11];
	[sflag:s10] =	ssyncadd.s32 $0xFFFF8000  }
0x5e: {  	[tilespmem:s3], [sflag:$0x4] =	stream.linear.gather [hbm4b:s19+s3], $0x100, $0x38;
	[tilespmem:$0x10200] =	vst v63  }
0x5f: {  	_ =	swait.ge [sflag:s4], $0x100  }
0x60: {  	[sflag:s4] =	ssyncset.done $0x0  }
0x61: {  	[sflag:s4] =	ssyncadd.s32 $0xFFFFFF00  }
0x62: {  	[tilespmem:s7], [sflag:$0x1] =	stream.indirect.gather [hbm4b:s5+s6], $0x80, s3, s6, $0xb8;
	[tilespmem:$0x10200] =	vst v63  }
0x63: {  	s12 =	sshll.u32 s12, $0x4;
	_ =	swait.ge [sflag:s8], $0x8000  }
0x64: {  	s20 =	sadd.s32 s22, s12;
	[sflag:s8] =	ssyncset.done $0x0  }
0x65: {  	[dreg:$0x12] =	wrdreg s20;
	[sflag:s8] =	ssyncadd.s32 $0xFFFF8000  }
0x66: {  	[hbm4b:s20+s3] =	stream.linear.scatter [tilespmem:s7], [sflag:$0x2], $0x8000, $0x38;
	[tilespmem:$0x10200] =	vst v63  }
0x67: {  	s14 =	sadd.s32 $0x700, s21;
	_ =	swait.ge [sflag:s11], $0x8000  }
0x68: {  	s25 =	sshrl.u32 s14, $0x3;
	[sflag:s11] =	ssyncset.done $0x0  }
0x69: {  	s13 =	sadd.s32 s23, s25;
	[sflag:s11] =	ssyncadd.s32 $0xFFFF8000  }
0x6a: {  	[tilespmem:s6], [sflag:$0x4] =	stream.linear.gather [hbm4b:s13+s3], $0x100, $0x38;
	[tilespmem:$0x10200] =	vst v63  }
0x6b: {  	_ =	swait.ge [sflag:s4], $0x100  }
0x6c: {  	[sflag:s4] =	ssyncset.done $0x0  }
0x6d: {  	[sflag:s4] =	ssyncadd.s32 $0xFFFFFF00  }
0x6e: {  	[tilespmem:s9], [sflag:$0x1] =	stream.indirect.gather [hbm4b:s5+s6], $0x80, s6, s6, $0xb8;
	[tilespmem:$0x10200] =	vst v63  }
0x6f: {  	_ =	swait.ge [sflag:s8], $0x8000  }
0x70: {  	s14 =	sshll.u32 s14, $0x4;
	[sflag:s8] =	ssyncset.done $0x0  }
0x71: {  	s14 =	sadd.s32 s22, s14;
	[sflag:s8] =	ssyncadd.s32 $0xFFFF8000  }
0x72: {  	[hbm4b:s14+s3] =	stream.linear.scatter [tilespmem:s9], [sflag:$0x3], $0x8000, $0x38;
	[tilespmem:$0x10200] =	vst v63  }
0x73: {  	s16 =	sadd.s32 $0x800, s21;
	_ =	swait.ge [sflag:s10], $0x8000  }
0x74: {  	s15 =	sshrl.u32 s16, $0x3;
	[sflag:s10] =	ssyncset.done $0x0  }
0x75: {  	s15 =	sadd.s32 s23, s15;
	[sflag:s10] =	ssyncadd.s32 $0xFFFF8000  }
0x76: {  	[tilespmem:s3], [sflag:$0x4] =	stream.linear.gather [hbm4b:s15+s3], $0x100, $0x38;
	[tilespmem:$0x10200] =	vst v63  }
0x77: {  	_ =	swait.ge [sflag:s4], $0x100  }
0x78: {  	[sflag:s4] =	ssyncset.done $0x0  }
0x79: {  	[sflag:s4] =	ssyncadd.s32 $0xFFFFFF00  }
0x7a: {  	[tilespmem:s7], [sflag:$0x1] =	stream.indirect.gather [hbm4b:s5+s6], $0x80, s3, s6, $0xb8;
	[tilespmem:$0x10200] =	vst v63  }
0x7b: {  	_ =	swait.ge [sflag:s8], $0x8000  }
0x7c: {  	s16 =	sshll.u32 s16, $0x4;
	[sflag:s8] =	ssyncset.done $0x0  }
0x7d: {  	s16 =	sadd.s32 s22, s16;
	[sflag:s8] =	ssyncadd.s32 $0xFFFF8000  }
0x7e: {  	[hbm4b:s16+s3] =	stream.linear.scatter [tilespmem:s7], [sflag:$0x2], $0x8000, $0x38;
	[tilespmem:$0x10200] =	vst v63  }
0x7f: {  	s18 =	sadd.s32 $0x900, s21;
	_ =	swait.ge [sflag:s11], $0x8000  }
0x80: {  	s17 =	sshrl.u32 s18, $0x3;
	[sflag:s11] =	ssyncset.done $0x0  }
0x81: {  	s17 =	sadd.s32 s23, s17;
	[sflag:s11] =	ssyncadd.s32 $0xFFFF8000  }
0x82: {  	[tilespmem:s6], [sflag:$0x4] =	stream.linear.gather [hbm4b:s17+s3], $0x100, $0x38;
	[tilespmem:$0x10200] =	vst v63  }
0x83: {  	_ =	swait.ge [sflag:s4], $0x100  }
0x84: {  	[sflag:s4] =	ssyncset.done $0x0  }
0x85: {  	[sflag:s4] =	ssyncadd.s32 $0xFFFFFF00  }
0x86: {  	[tilespmem:s9], [sflag:$0x1] =	stream.indirect.gather [hbm4b:s5+s6], $0x80, s6, s6, $0xb8;
	[tilespmem:$0x10200] =	vst v63  }
0x87: {  	_ =	swait.ge [sflag:s8], $0x8000  }
0x88: {  	s18 =	sshll.u32 s18, $0x4;
	[sflag:s8] =	ssyncset.done $0x0  }
0x89: {  	s18 =	sadd.s32 s22, s18;
	[sflag:s8] =	ssyncadd.s32 $0xFFFF8000  }
0x8a: {  	[hbm4b:s18+s3] =	stream.linear.scatter [tilespmem:s9], [sflag:$0x3], $0x8000, $0x38;
	[tilespmem:$0x10200] =	vst v63  }
0x8b: {  	s20 =	sadd.s32 $0xA00, s21;
	_ =	swait.ge [sflag:s10], $0x8000  }
0x8c: {  	s19 =	sshrl.u32 s20, $0x3;
	[sflag:s10] =	ssyncset.done $0x0  }
0x8d: {  	s19 =	sadd.s32 s23, s19;
	[sflag:s10] =	ssyncadd.s32 $0xFFFF8000  }
0x8e: {  	[tilespmem:s3], [sflag:$0x4] =	stream.linear.gather [hbm4b:s19+s3], $0x100, $0x38;
	[tilespmem:$0x10200] =	vst v63  }
0x8f: {  	_ =	swait.ge [sflag:s4], $0x100  }
0x90: {  	[sflag:s4] =	ssyncset.done $0x0  }
0x91: {  	[sflag:s4] =	ssyncadd.s32 $0xFFFFFF00  }
0x92: {  	[tilespmem:s7], [sflag:$0x1] =	stream.indirect.gather [hbm4b:s5+s6], $0x80, s3, s6, $0xb8;
	[tilespmem:$0x10200] =	vst v63  }
0x93: {  	_ =	swait.ge [sflag:s8], $0x8000  }
0x94: {  	s20 =	sshll.u32 s20, $0x4;
	[sflag:s8] =	ssyncset.done $0x0  }
0x95: {  	s20 =	sadd.s32 s22, s20;
	[sflag:s8] =	ssyncadd.s32 $0xFFFF8000  }
0x96: {  	[hbm4b:s20+s3] =	stream.linear.scatter [tilespmem:s7], [sflag:$0x2], $0x8000, $0x38;
	[tilespmem:$0x10200] =	vst v63  }
0x97: {  	s25 =	sadd.s32 $0xB00, s21;
	_ =	swait.ge [sflag:s11], $0x8000  }
0x98: {  	s21 =	sshrl.u32 s25, $0x3;
	[sflag:s11] =	ssyncset.done $0x0  }
0x99: {  	s21 =	sadd.s32 s23, s21;
	[sflag:s11] =	ssyncadd.s32 $0xFFFF8000  }
0x9a: {  	[tilespmem:s6], [sflag:$0x4] =	stream.linear.gather [hbm4b:s21+s3], $0x100, $0x38;
	[tilespmem:$0x10200] =	vst v63  }
0x9b: {  	_ =	swait.ge [sflag:s4], $0x100  }
0x9c: {  	[sflag:s4] =	ssyncset.done $0x0  }
0x9d: {  	[sflag:s4] =	ssyncadd.s32 $0xFFFFFF00  }
0x9e: {  	[tilespmem:s9], [sflag:$0x1] =	stream.indirect.gather [hbm4b:s5+s6], $0x80, s6, s6, $0xb8;
	[tilespmem:$0x10200] =	vst v63  }
0x9f: {  	_ =	swait.ge [sflag:s8], $0x8000  }
0xa0: {  	s25 =	sshll.u32 s25, $0x4;
	[sflag:s8] =	ssyncset.done $0x0  }
0xa1: {  	s22 =	sadd.s32 s22, s25;
	[sflag:s8] =	ssyncadd.s32 $0xFFFF8000  }
0xa2: {  	[hbm4b:s22+s3] =	stream.linear.scatter [tilespmem:s9], [sflag:$0x3], $0x8000, $0x38;
	[tilespmem:$0x10200] =	vst v63  }
0xa3: {  	_ =	swait.ge [sflag:s10], $0x8000  }
0xa4: {  	s30 =	sadd.s32 $0x3000, s23;
	s0 =	sshll.u32 s24, $0x7;
	[sflag:s10] =	ssyncset.done $0x0  }
0xa5: {  	s23 =	sadd.s32 s30, s0;
	[sflag:s10] =	ssyncadd.s32 $0xFFFF8000  }
0xa6: {  	[tilespmem:s3], [sflag:$0x4] =	stream.linear.gather [hbm4b:s23+s3], $0x100, $0x38;
	[tilespmem:$0x10200] =	vst v63  }
0xa7: {  	_ =	swait.ge [sflag:s4], $0x100  }
0xa8: {  	[sflag:s4] =	ssyncset.done $0x0  }
0xa9: {  	[sflag:s4] =	ssyncadd.s32 $0xFFFFFF00  }
0xaa: {  	[tilespmem:s7], [sflag:$0x1] =	stream.indirect.gather [hbm4b:s1+s6], $0x80, s3, s6, $0xb8;
	[tilespmem:$0x10200] =	vst v63  }
0xab: {  	_ =	swait.ge [sflag:s8], $0x8000  }
0xac: {  	s25 =	sshll.u32 s24, $0xE;
	[sflag:s8] =	ssyncset.done $0x0  }
0xad: {  	s0 =	sshll.u32 s24, $0xA;
	s24 =	sadd.s32 s26, s25;
	[sflag:s8] =	ssyncadd.s32 $0xFFFF8000  }
0xae: {  	[hbm4b:s24+s3] =	stream.linear.scatter [tilespmem:s7], [sflag:$0x2], $0x8000, $0x38;
	[tilespmem:$0x10200] =	vst v63  }
0xaf: {  	s12 =	smov.u32 s26;
	s26 =	sor.u32 $0x100, s0;
	_ =	swait.ge [sflag:s11], $0x8000  }
0xb0: {  	s25 =	sshrl.u32 s26, $0x3;
	[sflag:s11] =	ssyncset.done $0x0  }
0xb1: {  	s25 =	sadd.s32 s30, s25;
	[sflag:s11] =	ssyncadd.s32 $0xFFFF8000  }
0xb2: {  	[tilespmem:s6], [sflag:$0x4] =	stream.linear.gather [hbm4b:s25+s3], $0x100, $0x38;
	[tilespmem:$0x10200] =	vst v63  }
0xb3: {  	_ =	swait.ge [sflag:s4], $0x100  }
0xb4: {  	[sflag:s4] =	ssyncset.done $0x0  }
0xb5: {  	[sflag:s4] =	ssyncadd.s32 $0xFFFFFF00  }
0xb6: {  	[tilespmem:s9], [sflag:$0x1] =	stream.indirect.gather [hbm4b:s1+s6], $0x80, s6, s6, $0xb8;
	[tilespmem:$0x10200] =	vst v63  }
0xb7: {  	_ =	swait.ge [sflag:s8], $0x8000  }
0xb8: {  	s26 =	sshll.u32 s26, $0x4;
	[sflag:s8] =	ssyncset.done $0x0  }
0xb9: {  	s26 =	sadd.s32 s12, s26;
	[sflag:s8] =	ssyncadd.s32 $0xFFFF8000  }
0xba: {  	[hbm4b:s26+s3] =	stream.linear.scatter [tilespmem:s9], [sflag:$0x3], $0x8000, $0x38;
	[tilespmem:$0x10200] =	vst v63  }
0xbb: {  	s29 =	sor.u32 $0x200, s0;
	_ =	swait.ge [sflag:s10], $0x8000  }
0xbc: {  	s28 =	sshrl.u32 s29, $0x3;
	[sflag:s10] =	ssyncset.done $0x0  }
0xbd: {  	s28 =	sadd.s32 s30, s28;
	[sflag:s10] =	ssyncadd.s32 $0xFFFF8000  }
0xbe: {  	[tilespmem:s3], [sflag:$0x4] =	stream.linear.gather [hbm4b:s28+s3], $0x100, $0x38;
	[tilespmem:$0x10200] =	vst v63  }
0xbf: {  	_ =	swait.ge [sflag:s4], $0x100  }
0xc0: {  	[sflag:s4] =	ssyncset.done $0x0  }
0xc1: {  	[sflag:s4] =	ssyncadd.s32 $0xFFFFFF00  }
0xc2: {  	[tilespmem:s7], [sflag:$0x1] =	stream.indirect.gather [hbm4b:s1+s6], $0x80, s3, s6, $0xb8;
	[tilespmem:$0x10200] =	vst v63  }
0xc3: {  	_ =	swait.ge [sflag:s8], $0x8000  }
0xc4: {  	s29 =	sshll.u32 s29, $0x4;
	[sflag:s8] =	ssyncset.done $0x0  }
0xc5: {  	s29 =	sadd.s32 s12, s29;
	[sflag:s8] =	ssyncadd.s32 $0xFFFF8000  }
0xc6: {  	[hbm4b:s29+s3] =	stream.linear.scatter [tilespmem:s7], [sflag:$0x2], $0x8000, $0x38;
	[tilespmem:$0x10200] =	vst v63  }
0xc7: {  	s0 =	sor.u32 $0x300, s0;
	_ =	swait.ge [sflag:s11], $0x8000  }
0xc8: {  	s31 =	sshrl.u32 s0, $0x3;
	[sflag:s11] =	ssyncset.done $0x0  }
0xc9: {  	s30 =	sadd.s32 s30, s31;
	[sflag:s11] =	ssyncadd.s32 $0xFFFF8000  }
0xca: {  	[tilespmem:s6], [sflag:$0x4] =	stream.linear.gather [hbm4b:s30+s3], $0x100, $0x38;
	[tilespmem:$0x10200] =	vst v63  }
0xcb: {  	s0 =	sshll.u32 s0, $0x4;
	_ =	swait.ge [sflag:s4], $0x100  }
0xcc: {  	s31 =	sadd.s32 s12, s0;
	s12 =	ssub.s32 $0x2, s2;
	[sflag:s4] =	ssyncset.done $0x0  }
0xcd: {  	s2 =	sshrl.u32 s12, $0x1;
	[sflag:s4] =	ssyncadd.s32 $0xFFFFFF00  }
0xce: {  	[tilespmem:s9], [sflag:$0x1] =	stream.indirect.gather [hbm4b:s1+s6], $0x80, s6, s6, $0xb8;
	[tilespmem:$0x10200] =	vst v63  }
0xcf: {  	s0 =	ssub.s32 s12, s2;
	_ =	swait.ge [sflag:s8], $0x8000  }
0xd0: {  	s0 =	smax.u32 s0, $0x1;
	[sflag:s8] =	ssyncset.done $0x0  }
0xd1: {  	p0 =	sne.s32 s0, $0x1;
	[sflag:s8] =	ssyncadd.s32 $0xFFFF8000  }
0xd2: {  	[hbm4b:s31+s3] =	stream.linear.scatter [tilespmem:s9], [sflag:$0x3], $0x8000, $0x38;
	[tilespmem:$0x10200] =	vst v63  }
.Ltmp0:
0xd3: {  	_ =	swait.ge [sflag:s10], $0x8000;
	(pc) =	sbr.rel @!p0 .LBB2_2-.Ltmp0, $4  }
0xd4: {  	[sflag:s10] =	ssyncset.done $0x0  }
0xd5: {  	[sflag:s10] =	ssyncadd.s32 $0xFFFF8000  }
0xd6: {  	_ =	swait.ge [sflag:s11], $0x8000  }
0xd7: {  	s2 =	sadd.s32 $0xFFFFFFFF, s0;
	[sflag:s11] =	ssyncset.done $0x0  }
.LBB2_1:
0xd8: {  	s0 =	rddreg [dreg:$0x5];
	[sflag:s11] =	ssyncadd.s32 $0xFFFF8000  }
0xd9: {  	[tilespmem:s3], [sflag:$0x4] =	stream.linear.gather [hbm4b:s0+s3], $0x100, $0x38;
	[tilespmem:$0x10200] =	vst v63  }
0xda: {  	_ =	swait.ge [sflag:s4], $0x100  }
0xdb: {  	[sflag:s4] =	ssyncset.done $0x0  }
0xdc: {  	[sflag:s4] =	ssyncadd.s32 $0xFFFFFF00  }
0xdd: {  	[tilespmem:s7], [sflag:$0x1] =	stream.indirect.gather [hbm4b:s5+s6], $0x80, s3, s6, $0xb8;
	[tilespmem:$0x10200] =	vst v63  }
0xde: {  	_ =	swait.ge [sflag:s8], $0x8000  }
0xdf: {  	[sflag:s8] =	ssyncset.done $0x0  }
0xe0: {  	s0 =	rddreg [dreg:$0x6];
	[sflag:s8] =	ssyncadd.s32 $0xFFFF8000  }
0xe1: {  	[hbm4b:s0+s3] =	stream.linear.scatter [tilespmem:s7], [sflag:$0x2], $0x8000, $0x38;
	[tilespmem:$0x10200] =	vst v63  }
0xe2: {  	s12 =	rddreg [dreg:$0x7]  }
0xe3: {  	[tilespmem:s6], [sflag:$0x4] =	stream.linear.gather [hbm4b:s12+s3], $0x100, $0x38;
	[tilespmem:$0x10200] =	vst v63  }
0xe4: {  	_ =	swait.ge [sflag:s4], $0x100  }
0xe5: {  	[sflag:s4] =	ssyncset.done $0x0  }
0xe6: {  	[sflag:s4] =	ssyncadd.s32 $0xFFFFFF00  }
0xe7: {  	[tilespmem:s9], [sflag:$0x1] =	stream.indirect.gather [hbm4b:s5+s6], $0x80, s6, s6, $0xb8;
	[tilespmem:$0x10200] =	vst v63  }
0xe8: {  	_ =	swait.ge [sflag:s8], $0x8000  }
0xe9: {  	[sflag:s8] =	ssyncset.done $0x0  }
0xea: {  	s12 =	rddreg [dreg:$0x8];
	[sflag:s8] =	ssyncadd.s32 $0xFFFF8000  }
0xeb: {  	[hbm4b:s12+s3] =	stream.linear.scatter [tilespmem:s9], [sflag:$0x3], $0x8000, $0x38;
	[tilespmem:$0x10200] =	vst v63  }
0xec: {  	_ =	swait.ge [sflag:s10], $0x8000  }
0xed: {  	[sflag:s10] =	ssyncset.done $0x0  }
0xee: {  	s12 =	rddreg [dreg:$0x9];
	[sflag:s10] =	ssyncadd.s32 $0xFFFF8000  }
0xef: {  	[tilespmem:s3], [sflag:$0x4] =	stream.linear.gather [hbm4b:s12+s3], $0x100, $0x38;
	[tilespmem:$0x10200] =	vst v63  }
0xf0: {  	_ =	swait.ge [sflag:s4], $0x100  }
0xf1: {  	[sflag:s4] =	ssyncset.done $0x0  }
0xf2: {  	[sflag:s4] =	ssyncadd.s32 $0xFFFFFF00  }
0xf3: {  	[tilespmem:s7], [sflag:$0x1] =	stream.indirect.gather [hbm4b:s5+s6], $0x80, s3, s6, $0xb8;
	[tilespmem:$0x10200] =	vst v63  }
0xf4: {  	_ =	swait.ge [sflag:s8], $0x8000  }
0xf5: {  	[sflag:s8] =	ssyncset.done $0x0  }
0xf6: {  	s12 =	rddreg [dreg:$0xa];
	[sflag:s8] =	ssyncadd.s32 $0xFFFF8000  }
0xf7: {  	[hbm4b:s12+s3] =	stream.linear.scatter [tilespmem:s7], [sflag:$0x2], $0x8000, $0x38;
	[tilespmem:$0x10200] =	vst v63  }
0xf8: {  	_ =	swait.ge [sflag:s11], $0x8000  }
0xf9: {  	[sflag:s11] =	ssyncset.done $0x0  }
0xfa: {  	s12 =	rddreg [dreg:$0xb];
	[sflag:s11] =	ssyncadd.s32 $0xFFFF8000  }
0xfb: {  	[tilespmem:s6], [sflag:$0x4] =	stream.linear.gather [hbm4b:s12+s3], $0x100, $0x38;
	[tilespmem:$0x10200] =	vst v63  }
0xfc: {  	_ =	swait.ge [sflag:s4], $0x100  }
0xfd: {  	[sflag:s4] =	ssyncset.done $0x0  }
0xfe: {  	[sflag:s4] =	ssyncadd.s32 $0xFFFFFF00  }
0xff: {  	[tilespmem:s9], [sflag:$0x1] =	stream.indirect.gather [hbm4b:s5+s6], $0x80, s6, s6, $0xb8;
	[tilespmem:$0x10200] =	vst v63  }
0x100: {  	_ =	swait.ge [sflag:s8], $0x8000  }
0x101: {  	[sflag:s8] =	ssyncset.done $0x0  }
0x102: {  	s12 =	rddreg [dreg:$0xc];
	[sflag:s8] =	ssyncadd.s32 $0xFFFF8000  }
0x103: {  	[hbm4b:s12+s3] =	stream.linear.scatter [tilespmem:s9], [sflag:$0x3], $0x8000, $0x38;
	[tilespmem:$0x10200] =	vst v63  }
0x104: {  	_ =	swait.ge [sflag:s10], $0x8000  }
0x105: {  	[sflag:s10] =	ssyncset.done $0x0  }
0x106: {  	s12 =	rddreg [dreg:$0xd];
	[sflag:s10] =	ssyncadd.s32 $0xFFFF8000  }
0x107: {  	[tilespmem:s3], [sflag:$0x4] =	stream.linear.gather [hbm4b:s12+s3], $0x100, $0x38;
	[tilespmem:$0x10200] =	vst v63  }
0x108: {  	_ =	swait.ge [sflag:s4], $0x100  }
0x109: {  	[sflag:s4] =	ssyncset.done $0x0  }
0x10a: {  	[sflag:s4] =	ssyncadd.s32 $0xFFFFFF00  }
0x10b: {  	[tilespmem:s7], [sflag:$0x1] =	stream.indirect.gather [hbm4b:s5+s6], $0x80, s3, s6, $0xb8;
	[tilespmem:$0x10200] =	vst v63  }
0x10c: {  	_ =	swait.ge [sflag:s8], $0x8000  }
0x10d: {  	[sflag:s8] =	ssyncset.done $0x0  }
0x10e: {  	s12 =	rddreg [dreg:$0xe];
	[sflag:s8] =	ssyncadd.s32 $0xFFFF8000  }
0x10f: {  	[hbm4b:s12+s3] =	stream.linear.scatter [tilespmem:s7], [sflag:$0x2], $0x8000, $0x38;
	[tilespmem:$0x10200] =	vst v63  }
0x110: {  	_ =	swait.ge [sflag:s11], $0x8000  }
0x111: {  	[sflag:s11] =	ssyncset.done $0x0  }
0x112: {  	s12 =	rddreg [dreg:$0xf];
	[sflag:s11] =	ssyncadd.s32 $0xFFFF8000  }
0x113: {  	[tilespmem:s6], [sflag:$0x4] =	stream.linear.gather [hbm4b:s12+s3], $0x100, $0x38;
	[tilespmem:$0x10200] =	vst v63  }
0x114: {  	_ =	swait.ge [sflag:s4], $0x100  }
0x115: {  	[sflag:s4] =	ssyncset.done $0x0  }
0x116: {  	[sflag:s4] =	ssyncadd.s32 $0xFFFFFF00  }
0x117: {  	[tilespmem:s9], [sflag:$0x1] =	stream.indirect.gather [hbm4b:s5+s6], $0x80, s6, s6, $0xb8;
	[tilespmem:$0x10200] =	vst v63  }
0x118: {  	_ =	swait.ge [sflag:s8], $0x8000  }
0x119: {  	[sflag:s8] =	ssyncset.done $0x0  }
0x11a: {  	s12 =	rddreg [dreg:$0x10];
	[sflag:s8] =	ssyncadd.s32 $0xFFFF8000  }
0x11b: {  	[hbm4b:s12+s3] =	stream.linear.scatter [tilespmem:s9], [sflag:$0x3], $0x8000, $0x38;
	[tilespmem:$0x10200] =	vst v63  }
0x11c: {  	_ =	swait.ge [sflag:s10], $0x8000  }
0x11d: {  	[sflag:s10] =	ssyncset.done $0x0  }
0x11e: {  	s12 =	rddreg [dreg:$0x11];
	[sflag:s10] =	ssyncadd.s32 $0xFFFF8000  }
0x11f: {  	[tilespmem:s3], [sflag:$0x4] =	stream.linear.gather [hbm4b:s12+s3], $0x100, $0x38;
	[tilespmem:$0x10200] =	vst v63  }
0x120: {  	_ =	swait.ge [sflag:s4], $0x100  }
0x121: {  	[sflag:s4] =	ssyncset.done $0x0  }
0x122: {  	[sflag:s4] =	ssyncadd.s32 $0xFFFFFF00  }
0x123: {  	[tilespmem:s7], [sflag:$0x1] =	stream.indirect.gather [hbm4b:s5+s6], $0x80, s3, s6, $0xb8;
	[tilespmem:$0x10200] =	vst v63  }
0x124: {  	_ =	swait.ge [sflag:s8], $0x8000  }
0x125: {  	[sflag:s8] =	ssyncset.done $0x0  }
0x126: {  	s12 =	rddreg [dreg:$0x12];
	[sflag:s8] =	ssyncadd.s32 $0xFFFF8000  }
0x127: {  	[hbm4b:s12+s3] =	stream.linear.scatter [tilespmem:s7], [sflag:$0x2], $0x8000, $0x38;
	[tilespmem:$0x10200] =	vst v63  }
0x128: {  	_ =	swait.ge [sflag:s11], $0x8000  }
0x129: {  	[sflag:s11] =	ssyncset.done $0x0  }
0x12a: {  	[sflag:s11] =	ssyncadd.s32 $0xFFFF8000  }
0x12b: {  	[tilespmem:s6], [sflag:$0x4] =	stream.linear.gather [hbm4b:s13+s3], $0x100, $0x38;
	[tilespmem:$0x10200] =	vst v63  }
0x12c: {  	_ =	swait.ge [sflag:s4], $0x100  }
0x12d: {  	[sflag:s4] =	ssyncset.done $0x0  }
0x12e: {  	[sflag:s4] =	ssyncadd.s32 $0xFFFFFF00  }
0x12f: {  	[tilespmem:s9], [sflag:$0x1] =	stream.indirect.gather [hbm4b:s5+s6], $0x80, s6, s6, $0xb8;
	[tilespmem:$0x10200] =	vst v63  }
0x130: {  	_ =	swait.ge [sflag:s8], $0x8000  }
0x131: {  	[sflag:s8] =	ssyncset.done $0x0  }
0x132: {  	[sflag:s8] =	ssyncadd.s32 $0xFFFF8000  }
0x133: {  	[hbm4b:s14+s3] =	stream.linear.scatter [tilespmem:s9], [sflag:$0x3], $0x8000, $0x38;
	[tilespmem:$0x10200] =	vst v63  }
0x134: {  	_ =	swait.ge [sflag:s10], $0x8000  }
0x135: {  	[sflag:s10] =	ssyncset.done $0x0  }
0x136: {  	[sflag:s10] =	ssyncadd.s32 $0xFFFF8000  }
0x137: {  	[tilespmem:s3], [sflag:$0x4] =	stream.linear.gather [hbm4b:s15+s3], $0x100, $0x38;
	[tilespmem:$0x10200] =	vst v63  }
0x138: {  	_ =	swait.ge [sflag:s4], $0x100  }
0x139: {  	[sflag:s4] =	ssyncset.done $0x0  }
0x13a: {  	[sflag:s4] =	ssyncadd.s32 $0xFFFFFF00  }
0x13b: {  	[tilespmem:s7], [sflag:$0x1] =	stream.indirect.gather [hbm4b:s5+s6], $0x80, s3, s6, $0xb8;
	[tilespmem:$0x10200] =	vst v63  }
0x13c: {  	_ =	swait.ge [sflag:s8], $0x8000  }
0x13d: {  	[sflag:s8] =	ssyncset.done $0x0  }
0x13e: {  	[sflag:s8] =	ssyncadd.s32 $0xFFFF8000  }
0x13f: {  	[hbm4b:s16+s3] =	stream.linear.scatter [tilespmem:s7], [sflag:$0x2], $0x8000, $0x38;
	[tilespmem:$0x10200] =	vst v63  }
0x140: {  	_ =	swait.ge [sflag:s11], $0x8000  }
0x141: {  	[sflag:s11] =	ssyncset.done $0x0  }
0x142: {  	[sflag:s11] =	ssyncadd.s32 $0xFFFF8000  }
0x143: {  	[tilespmem:s6], [sflag:$0x4] =	stream.linear.gather [hbm4b:s17+s3], $0x100, $0x38;
	[tilespmem:$0x10200] =	vst v63  }
0x144: {  	_ =	swait.ge [sflag:s4], $0x100  }
0x145: {  	[sflag:s4] =	ssyncset.done $0x0  }
0x146: {  	[sflag:s4] =	ssyncadd.s32 $0xFFFFFF00  }
0x147: {  	[tilespmem:s9], [sflag:$0x1] =	stream.indirect.gather [hbm4b:s5+s6], $0x80, s6, s6, $0xb8;
	[tilespmem:$0x10200] =	vst v63  }
0x148: {  	_ =	swait.ge [sflag:s8], $0x8000  }
0x149: {  	[sflag:s8] =	ssyncset.done $0x0  }
0x14a: {  	[sflag:s8] =	ssyncadd.s32 $0xFFFF8000  }
0x14b: {  	[hbm4b:s18+s3] =	stream.linear.scatter [tilespmem:s9], [sflag:$0x3], $0x8000, $0x38;
	[tilespmem:$0x10200] =	vst v63  }
0x14c: {  	_ =	swait.ge [sflag:s10], $0x8000  }
0x14d: {  	[sflag:s10] =	ssyncset.done $0x0  }
0x14e: {  	[sflag:s10] =	ssyncadd.s32 $0xFFFF8000  }
0x14f: {  	[tilespmem:s3], [sflag:$0x4] =	stream.linear.gather [hbm4b:s19+s3], $0x100, $0x38;
	[tilespmem:$0x10200] =	vst v63  }
0x150: {  	_ =	swait.ge [sflag:s4], $0x100  }
0x151: {  	[sflag:s4] =	ssyncset.done $0x0  }
0x152: {  	[sflag:s4] =	ssyncadd.s32 $0xFFFFFF00  }
0x153: {  	[tilespmem:s7], [sflag:$0x1] =	stream.indirect.gather [hbm4b:s5+s6], $0x80, s3, s6, $0xb8;
	[tilespmem:$0x10200] =	vst v63  }
0x154: {  	_ =	swait.ge [sflag:s8], $0x8000  }
0x155: {  	[sflag:s8] =	ssyncset.done $0x0  }
0x156: {  	[sflag:s8] =	ssyncadd.s32 $0xFFFF8000  }
0x157: {  	[hbm4b:s20+s3] =	stream.linear.scatter [tilespmem:s7], [sflag:$0x2], $0x8000, $0x38;
	[tilespmem:$0x10200] =	vst v63  }
0x158: {  	_ =	swait.ge [sflag:s11], $0x8000  }
0x159: {  	[sflag:s11] =	ssyncset.done $0x0  }
0x15a: {  	[sflag:s11] =	ssyncadd.s32 $0xFFFF8000  }
0x15b: {  	[tilespmem:s6], [sflag:$0x4] =	stream.linear.gather [hbm4b:s21+s3], $0x100, $0x38;
	[tilespmem:$0x10200] =	vst v63  }
0x15c: {  	_ =	swait.ge [sflag:s4], $0x100  }
0x15d: {  	[sflag:s4] =	ssyncset.done $0x0  }
0x15e: {  	[sflag:s4] =	ssyncadd.s32 $0xFFFFFF00  }
0x15f: {  	[tilespmem:s9], [sflag:$0x1] =	stream.indirect.gather [hbm4b:s5+s6], $0x80, s6, s6, $0xb8;
	[tilespmem:$0x10200] =	vst v63  }
0x160: {  	_ =	swait.ge [sflag:s8], $0x8000  }
0x161: {  	[sflag:s8] =	ssyncset.done $0x0  }
0x162: {  	[sflag:s8] =	ssyncadd.s32 $0xFFFF8000  }
0x163: {  	[hbm4b:s22+s3] =	stream.linear.scatter [tilespmem:s9], [sflag:$0x3], $0x8000, $0x38;
	[tilespmem:$0x10200] =	vst v63  }
0x164: {  	_ =	swait.ge [sflag:s10], $0x8000  }
0x165: {  	[sflag:s10] =	ssyncset.done $0x0  }
0x166: {  	[sflag:s10] =	ssyncadd.s32 $0xFFFF8000  }
0x167: {  	[tilespmem:s3], [sflag:$0x4] =	stream.linear.gather [hbm4b:s23+s3], $0x100, $0x38;
	[tilespmem:$0x10200] =	vst v63  }
0x168: {  	_ =	swait.ge [sflag:s4], $0x100  }
0x169: {  	[sflag:s4] =	ssyncset.done $0x0  }
0x16a: {  	[sflag:s4] =	ssyncadd.s32 $0xFFFFFF00  }
0x16b: {  	[tilespmem:s7], [sflag:$0x1] =	stream.indirect.gather [hbm4b:s1+s6], $0x80, s3, s6, $0xb8;
	[tilespmem:$0x10200] =	vst v63  }
0x16c: {  	_ =	swait.ge [sflag:s8], $0x8000  }
0x16d: {  	[sflag:s8] =	ssyncset.done $0x0  }
0x16e: {  	[sflag:s8] =	ssyncadd.s32 $0xFFFF8000  }
0x16f: {  	[hbm4b:s24+s3] =	stream.linear.scatter [tilespmem:s7], [sflag:$0x2], $0x8000, $0x38;
	[tilespmem:$0x10200] =	vst v63  }
0x170: {  	_ =	swait.ge [sflag:s11], $0x8000  }
0x171: {  	[sflag:s11] =	ssyncset.done $0x0  }
0x172: {  	[sflag:s11] =	ssyncadd.s32 $0xFFFF8000  }
0x173: {  	[tilespmem:s6], [sflag:$0x4] =	stream.linear.gather [hbm4b:s25+s3], $0x100, $0x38;
	[tilespmem:$0x10200] =	vst v63  }
0x174: {  	_ =	swait.ge [sflag:s4], $0x100  }
0x175: {  	[sflag:s4] =	ssyncset.done $0x0  }
0x176: {  	[sflag:s4] =	ssyncadd.s32 $0xFFFFFF00  }
0x177: {  	[tilespmem:s9], [sflag:$0x1] =	stream.indirect.gather [hbm4b:s1+s6], $0x80, s6, s6, $0xb8;
	[tilespmem:$0x10200] =	vst v63  }
0x178: {  	_ =	swait.ge [sflag:s8], $0x8000  }
0x179: {  	[sflag:s8] =	ssyncset.done $0x0  }
0x17a: {  	[sflag:s8] =	ssyncadd.s32 $0xFFFF8000  }
0x17b: {  	[hbm4b:s26+s3] =	stream.linear.scatter [tilespmem:s9], [sflag:$0x3], $0x8000, $0x38;
	[tilespmem:$0x10200] =	vst v63  }
0x17c: {  	_ =	swait.ge [sflag:s10], $0x8000  }
0x17d: {  	[sflag:s10] =	ssyncset.done $0x0  }
0x17e: {  	[sflag:s10] =	ssyncadd.s32 $0xFFFF8000  }
0x17f: {  	[tilespmem:s3], [sflag:$0x4] =	stream.linear.gather [hbm4b:s28+s3], $0x100, $0x38;
	[tilespmem:$0x10200] =	vst v63  }
0x180: {  	_ =	swait.ge [sflag:s4], $0x100  }
0x181: {  	[sflag:s4] =	ssyncset.done $0x0  }
0x182: {  	[sflag:s4] =	ssyncadd.s32 $0xFFFFFF00  }
0x183: {  	[tilespmem:s7], [sflag:$0x1] =	stream.indirect.gather [hbm4b:s1+s6], $0x80, s3, s6, $0xb8;
	[tilespmem:$0x10200] =	vst v63  }
0x184: {  	_ =	swait.ge [sflag:s8], $0x8000  }
0x185: {  	[sflag:s8] =	ssyncset.done $0x0  }
0x186: {  	[sflag:s8] =	ssyncadd.s32 $0xFFFF8000  }
0x187: {  	[hbm4b:s29+s3] =	stream.linear.scatter [tilespmem:s7], [sflag:$0x2], $0x8000, $0x38;
	[tilespmem:$0x10200] =	vst v63  }
0x188: {  	_ =	swait.ge [sflag:s11], $0x8000  }
0x189: {  	[sflag:s11] =	ssyncset.done $0x0  }
0x18a: {  	[sflag:s11] =	ssyncadd.s32 $0xFFFF8000  }
0x18b: {  	[tilespmem:s6], [sflag:$0x4] =	stream.linear.gather [hbm4b:s30+s3], $0x100, $0x38;
	[tilespmem:$0x10200] =	vst v63  }
0x18c: {  	_ =	swait.ge [sflag:s4], $0x100  }
0x18d: {  	[sflag:s4] =	ssyncset.done $0x0  }
0x18e: {  	[sflag:s4] =	ssyncadd.s32 $0xFFFFFF00  }
0x18f: {  	[tilespmem:s9], [sflag:$0x1] =	stream.indirect.gather [hbm4b:s1+s6], $0x80, s6, s6, $0xb8;
	[tilespmem:$0x10200] =	vst v63  }
0x190: {  	_ =	swait.ge [sflag:s8], $0x8000  }
0x191: {  	[sflag:s8] =	ssyncset.done $0x0  }
0x192: {  	p0 =	sne.s32 s2, $0x1;
	[sflag:s8] =	ssyncadd.s32 $0xFFFF8000  }
0x193: {  	[hbm4b:s31+s3] =	stream.linear.scatter [tilespmem:s9], [sflag:$0x3], $0x8000, $0x38;
	[tilespmem:$0x10200] =	vst v63  }
.Ltmp1:
0x194: {  	_ =	swait.ge [sflag:s10], $0x8000;
	(pc) =	sbr.rel @p0 .LBB2_1-.Ltmp1, $4  }
0x195: {  	[sflag:s10] =	ssyncset.done $0x0  }
0x196: {  	[sflag:s10] =	ssyncadd.s32 $0xFFFF8000  }
0x197: {  	_ =	swait.ge [sflag:s11], $0x8000  }
0x198: {  	s2 =	sadd.s32 $0xFFFFFFFF, s2;
	[sflag:s11] =	ssyncset.done $0x0  }
.LBB2_2:
0x199: {  	[sflag:s11] =	ssyncadd.s32 $0xFFFF8000  }
0x19a: {  	_ =	sfence.sel $0x180000  }
0x19b: {  	[bflag:$0x0] =	sbarrier.arrive $0xFFFF  }
0x19c: {  	_ =	strace $0x90000047  }
0x19d: {  	s0 =	stileid.u32;
	[bflag:$0x2] =	sbarrier.arrive $0xFFFF  }
0x19e: {  	p0 =	sne.s32 s0, $0x0;
	s0 =	rddreg [dreg:$0x4]  }
0x19f: {  	s0 =	sadd.s32 @!p0 $0x100000, s0  }
0x1a0: {  	[sflag:s0] =	ssyncadd.tile.s32 @!p0 $0x1;
	_ =	shalt  }
.Lfunc_end2:
_tile_overlayer_lowered:
.L_overlay_start_2:
0x1a1: {  	(tag) =	ssettag $0x2  }
0x1a2: {  	s0 =	rddreg [dreg:$0x0];
	s2 =	stileid.u32  }
0x1a3: {  	s1 =	rddreg [dreg:$0x1];
	p0 =	sne.s32 s2, $0x0  }
0x1a4: {  	s3 =	rddreg [dreg:$0x2];
	[bflag:$0x3] =	sbarrier.arrive $0xFFFF;
	s2 =	simm.s32 @!p0 $0x1C04  }
0x1a5: {  	[timem:s3], [sflag:s2] =	dma.local @!p0 [hbm:s0], s1  }
0x1a6: {  	s0 =	simm.s32 @!p0 $0x4  }
0x1a7: {  	_ =	swait.ge @!p0 [sflag:s0], s1  }
0x1a8: {  	s1 =	ssub.s32 @!p0 $0x0, s1;
	[sflag:s0] =	ssyncset.done @!p0 $0x0  }
0x1a9: {  	[sflag:s0] =	ssyncadd.s32 @!p0 s1  }
0x1aa: {  	[bflag:$0x3] =	sbarrier.arrive $0xFFFF  }
0x1ab: {  	_ =	shalt  }

</sc_bundles>
